<compile_context>
chip_gen: v7x
topology: tpu7x:2x2x1
jax: 0.10.2.dev20260603
libtpu: 0.0.44.dev20260713+nightly
codegen_flags: <defaults>
</compile_context>

<pallas_src>
import jax
import jax.numpy as jnp
from jax import lax
from jax.experimental import pallas as pl
from jax.experimental.pallas import tpu as pltpu
from jax.experimental.pallas import tpu_sc as plsc

_NC = 2
_NS = 16
_NW = _NC * _NS
_L = 16


def _sc_mesh():
    return plsc.VectorSubcoreMesh(
        core_axis_name="c", subcore_axis_name="s",
        num_cores=_NC, num_subcores=_NS)


def _build_degrees(E, N):
    EP = E // _NW

    def body(src_hbm, dst_hbm, out_hbm, idx_a, idx_b, hist0, hist1,
             sema, semb):
        cid = lax.axis_index("c")
        sid = lax.axis_index("s")
        wid = sid * _NC + cid

        pltpu.async_copy(src_hbm.at[pl.ds(wid * EP, EP)], idx_a, sema)
        pltpu.async_copy(dst_hbm.at[pl.ds(wid * EP, EP)], idx_b, semb)

        def zero(i, _):
            hist0[pl.ds(i * _L, _L)] = jnp.zeros((_L,), jnp.float32)
            hist1[pl.ds(i * _L, _L)] = jnp.zeros((_L,), jnp.float32)
            return 0
        lax.fori_loop(0, N // _L, zero, 0)

        ones = jnp.ones((_L,), jnp.float32)
        pltpu.make_async_copy(src_hbm.at[pl.ds(wid * EP, EP)], idx_a,
                              sema).wait()

        def acc0(i, _):
            idx = idx_a[pl.ds(i * _L, _L)]
            plsc.addupdate_scatter(hist0, [idx], ones)
            return 0
        lax.fori_loop(0, EP // _L, acc0, 0)

        pltpu.make_async_copy(dst_hbm.at[pl.ds(wid * EP, EP)], idx_b,
                              semb).wait()

        def acc1(i, _):
            idx = idx_b[pl.ds(i * _L, _L)]
            plsc.addupdate_scatter(hist1, [idx], ones)
            return 0
        lax.fori_loop(0, EP // _L, acc1, 0)

        pltpu.sync_copy(hist0, out_hbm.at[0, wid])
        pltpu.sync_copy(hist1, out_hbm.at[1, wid])

    return pl.kernel(
        body,
        out_type=jax.ShapeDtypeStruct((2, _NW, N), jnp.float32),
        mesh=_sc_mesh(),
        compiler_params=pltpu.CompilerParams(needs_layout_passes=False, use_tc_tiling_on_sc=False),
        scratch_types=[
            pltpu.VMEM((EP,), jnp.int32),
            pltpu.VMEM((EP,), jnp.int32),
            pltpu.VMEM((N,), jnp.float32),
            pltpu.VMEM((N,), jnp.float32),
            pltpu.SemaphoreType.DMA,
            pltpu.SemaphoreType.DMA,
        ])


def _build_agg(N, D, E, K):
    EP = E // _NW
    NCH = EP // K
    RPT = N // _NS

    def body(h_hbm, src_hbm, dst_hbm, out_hbm, sidx, didx, gbuf,
             acc_sh, gsem, ssem):
        cid = lax.axis_index("c")
        sid = lax.axis_index("s")
        wid = sid * _NC + cid

        def z(i, _):
            for bk in range(2):
                for j in range(D // _L):
                    gbuf[bk, i, pl.ds(j * _L, _L)] = jnp.zeros(
                        (_L,), jnp.float32)
            return 0
        lax.fori_loop(0, K, z, 0)
        nfull = RPT // K
        for j in range(nfull):
            pltpu.sync_copy(gbuf.at[0], acc_sh.at[pl.ds(sid * RPT + j * K, K)])
        rem = RPT - nfull * K
        if rem:
            pltpu.sync_copy(gbuf.at[0, pl.ds(0, rem)],
                            acc_sh.at[pl.ds(sid * RPT + nfull * K, rem)])
        plsc.subcore_barrier()

        pltpu.sync_copy(src_hbm.at[wid], sidx)
        pltpu.sync_copy(dst_hbm.at[wid], didx)

        pltpu.async_copy(h_hbm.at[sidx.at[0]], gbuf.at[0], gsem.at[0])
        pltpu.async_copy(h_hbm.at[sidx.at[1]], gbuf.at[1], gsem.at[1])

        def step(c, _):
            p = lax.rem(c, 3)
            q = lax.rem(c + 2, 3)

            @pl.when(c >= 1)
            def _():
                pltpu.make_async_copy(
                    gbuf.at[q], acc_sh.at[didx.at[c - 1]], ssem.at[q]).wait()

            @pl.when(c + 2 < NCH)
            def _():
                pltpu.async_copy(h_hbm.at[sidx.at[c + 2]], gbuf.at[q],
                                 gsem.at[q])

            pltpu.make_async_copy(h_hbm.at[sidx.at[c]], gbuf.at[p],
                                  gsem.at[p]).wait()
            pltpu.async_copy(gbuf.at[p], acc_sh.at[didx.at[c]], ssem.at[p],
                             add=True)
            return 0
        lax.fori_loop(0, NCH, step, 0)
        p_last = (NCH - 1) % 3
        pltpu.make_async_copy(gbuf.at[p_last],
                              acc_sh.at[didx.at[NCH - 1]],
                              ssem.at[p_last]).wait()

        plsc.subcore_barrier()
        pltpu.sync_copy(acc_sh.at[pl.ds(sid * RPT, RPT)],
                        out_hbm.at[cid, pl.ds(sid * RPT, RPT)])

    return pl.kernel(
        body,
        out_type=jax.ShapeDtypeStruct((_NC, N, D), jnp.float32),
        mesh=_sc_mesh(),
        compiler_params=pltpu.CompilerParams(needs_layout_passes=False, use_tc_tiling_on_sc=False),
        scratch_types=[
            pltpu.VMEM((NCH, K), jnp.int32),
            pltpu.VMEM((NCH, K), jnp.int32),
            pltpu.VMEM((3, K, D), jnp.float32),
            pltpu.VMEM_SHARED((N, D), jnp.float32),
            pltpu.SemaphoreType.DMA((3,)),
            pltpu.SemaphoreType.DMA((3,)),
        ])


def _build_prep(N, D, BN):
    G = N // BN

    def body(degp_ref, x_ref, sel_ref, h_ref, nc_ref, nc_s):
        i = pl.program_id(0)

        @pl.when(i == 0)
        def _():
            dcols = lax.dot_general(
                degp_ref[...], sel_ref[...],
                (((0,), (0,)), ((), ())),
                preferred_element_type=jnp.float32)
            nc_s[...] = lax.rsqrt(jnp.where(dcols > 0, dcols, 1.0))

        nc_blk = nc_s[pl.ds(i * BN, BN), :]
        h_ref[...] = x_ref[...] * nc_blk[:, 0:1]
        nc_ref[...] = nc_blk

    return pl.pallas_call(
        body,
        grid=(G,),
        in_specs=[pl.BlockSpec((2 * _NW, N), lambda i: (0, 0)),
                  pl.BlockSpec((BN, D), lambda i: (i, 0)),
                  pl.BlockSpec((2 * _NW, 2), lambda i: (0, 0))],
        out_specs=[pl.BlockSpec((BN, D), lambda i: (i, 0)),
                   pl.BlockSpec((BN, 2), lambda i: (i, 0))],
        out_shape=[jax.ShapeDtypeStruct((N, D), jnp.float32),
                   jax.ShapeDtypeStruct((N, 2), jnp.float32)],
        scratch_shapes=[pltpu.VMEM((N, 2), jnp.float32)])


def _build_main(N, D, BN):
    G = N // BN

    inv_n = 1.0 / N

    def body(a0, a1, nc, x, w_ref, b_ref, wr_ref, br_ref, g_ref, bt_ref,
             out_ref, new_s, stats_s):
        ph = pl.program_id(0)
        j = pl.program_id(1)

        @pl.when(ph == 0)
        def _():
            agg = (a0[...] + a1[...]) * nc[:, 1:2]
            conv = jnp.maximum(
                jnp.dot(agg, w_ref[...], preferred_element_type=jnp.float32)
                + b_ref[...], 0.0)
            res = jnp.maximum(
                jnp.dot(x[...], wr_ref[...],
                        preferred_element_type=jnp.float32)
                + br_ref[...], 0.0)
            new = conv + res
            new_s[pl.ds(j * BN, BN), :] = new
            out_ref[...] = new
            blk = jnp.concatenate(
                [jnp.sum(new, axis=0, keepdims=True),
                 jnp.sum(new * new, axis=0, keepdims=True)], axis=0)

            @pl.when(j == 0)
            def _():
                stats_s[...] = blk

            @pl.when(j > 0)
            def _():
                stats_s[...] = stats_s[...] + blk

        @pl.when(ph == 1)
        def _():
            s = stats_s[...]
            mean = s[0:1, :] * inv_n
            var = s[1:2, :] * inv_n - mean * mean
            out_ref[...] = ((new_s[pl.ds(j * BN, BN), :] - mean)
                            * lax.rsqrt(var + 1e-5)
                            * g_ref[...] + bt_ref[...])

    return pl.pallas_call(
        body,
        grid=(2, G),
        in_specs=[pl.BlockSpec((BN, D), lambda p, i: (i, 0)),
                  pl.BlockSpec((BN, D), lambda p, i: (i, 0)),
                  pl.BlockSpec((BN, 2), lambda p, i: (i, 0)),
                  pl.BlockSpec((BN, D), lambda p, i: (i, 0)),
                  pl.BlockSpec((D, D), lambda p, i: (0, 0)),
                  pl.BlockSpec((1, D), lambda p, i: (0, 0)),
                  pl.BlockSpec((D, D), lambda p, i: (0, 0)),
                  pl.BlockSpec((1, D), lambda p, i: (0, 0)),
                  pl.BlockSpec((1, D), lambda p, i: (0, 0)),
                  pl.BlockSpec((1, D), lambda p, i: (0, 0))],
        out_specs=pl.BlockSpec((BN, D), lambda p, i: (i, 0)),
        out_shape=jax.ShapeDtypeStruct((N, D), jnp.float32),
        scratch_shapes=[pltpu.VMEM((N, D), jnp.float32),
                        pltpu.VMEM((2, D), jnp.float32)])


def kernel(node_feats, edge_index, W, b, Wr, br, gamma, beta):
    N, D = node_feats.shape
    E = edge_index.shape[1]
    EP = E // _NW
    K = 80
    NCH = EP // K
    BN = 2000

    src = edge_index[0]
    dst = edge_index[1]

    degp = _build_degrees(E, N)(src, dst)
    sel = jnp.concatenate(
        [jnp.concatenate([jnp.ones((_NW, 1), jnp.float32),
                          jnp.zeros((_NW, 1), jnp.float32)], axis=1),
         jnp.concatenate([jnp.zeros((_NW, 1), jnp.float32),
                          jnp.ones((_NW, 1), jnp.float32)], axis=1)],
        axis=0)
    h, nc = _build_prep(N, D, BN)(degp.reshape(2 * _NW, N),
                                  node_feats, sel)
    aggp = _build_agg(N, D, E, K)(
        h, src.reshape(_NW, NCH, K), dst.reshape(_NW, NCH, K))
    return _build_main(N, D, BN)(
        aggp[0], aggp[1], nc, node_feats,
        W, b.reshape(1, D), Wr, br.reshape(1, D),
        gamma.reshape(1, D), beta.reshape(1, D))

# --- scband reference (transcript-rebuilt; emitter-appended) ---
"""Pipeline reference for scband-new-res-gcnlayer-80779744903954 (READ-ONLY COPY).

The authoritative reference and input builder live on the scoring server;
editing this copy changes nothing except your own understanding.
"""

import jax, jax.numpy as jnp
import numpy as np

N = 10000
E = 320000
D_IN = 128
D_OUT = 128


def setup_inputs(seed: int = 0) -> dict:
    key = jax.random.key(seed)
    k1, k2, k3, k4, k5, k6 = jax.random.split(key, 6)
    node_feats = jax.random.normal(k1, (N, D_IN), dtype=jnp.float32)
    edge_index = jax.random.randint(k2, (2, E), 0, N, dtype=jnp.int32)
    # GraphConv weight/bias (glorot-ish init)
    W = jax.random.normal(k3, (D_IN, D_OUT), dtype=jnp.float32) * (1.0 / np.sqrt(D_IN))
    b = jnp.zeros((D_OUT,), dtype=jnp.float32)
    # residual Linear weight/bias
    Wr = jax.random.normal(k4, (D_IN, D_OUT), dtype=jnp.float32) * (1.0 / np.sqrt(D_IN))
    br = jax.random.normal(k5, (D_OUT,), dtype=jnp.float32) * (1.0 / np.sqrt(D_IN))
    # BatchNorm affine params
    gamma = jnp.ones((D_OUT,), dtype=jnp.float32)
    beta = jnp.zeros((D_OUT,), dtype=jnp.float32)
    return {"node_feats": node_feats, "edge_index": edge_index, "W": W, "b": b,
            "Wr": Wr, "br": br, "gamma": gamma, "beta": beta}


def reference(node_feats, edge_index, W, b, Wr, br, gamma, beta):
    src = edge_index[0]
    dst = edge_index[1]
    ones = jnp.ones((E,), dtype=jnp.float32)
    # DGL GraphConv norm='both': symmetric degree normalization
    deg_out = jax.ops.segment_sum(ones, src, num_segments=N)  # out-degree of src
    deg_in = jax.ops.segment_sum(ones, dst, num_segments=N)   # in-degree of dst
    norm_out = jnp.where(deg_out > 0, deg_out, 1.0) ** (-0.5)
    norm_in = jnp.where(deg_in > 0, deg_in, 1.0) ** (-0.5)
    h = node_feats * norm_out[:, None]
    # in_feats == out_feats -> aggregate first, then project (DGL ordering)
    msg = jnp.take(h, src, axis=0)
    agg = jax.ops.segment_sum(msg, dst, num_segments=N)
    agg = agg * norm_in[:, None]
    conv = jax.nn.relu(agg @ W + b)
    # residual branch: activation(Linear(node_feats))
    res = jax.nn.relu(node_feats @ Wr + br)
    new = conv + res
    # BatchNorm1d (training-mode batch statistics)
    mean = jnp.mean(new, axis=0)
    var = jnp.var(new, axis=0)
    out = (new - mean) / jnp.sqrt(var + 1e-5) * gamma + beta
    return out

if __name__ == "__main__":
    import jax
    _d = setup_inputs()
    print(jax.jit(kernel)(*tuple(_d.values())))

</pallas_src>

<mosaic_0001>
#map = affine_map<(d0, d1) -> (0)>
#map1 = affine_map<(d0, d1) -> (0, 0, 0)>
module attributes {stable_mosaic.version = 14 : i64} {
  func.func @body(%arg0: i32, %arg1: i32, %arg2: memref<320000xi32, #tpu.memory_space<hbm>>, %arg3: memref<320000xi32, #tpu.memory_space<hbm>>, %arg4: memref<2x32x10000xf32, #tpu.memory_space<hbm>>, %arg5: memref<10000xi32, #tpu.memory_space<vmem>>, %arg6: memref<10000xi32, #tpu.memory_space<vmem>>, %arg7: memref<10000xf32, #tpu.memory_space<vmem>>, %arg8: memref<10000xf32, #tpu.memory_space<vmem>>, %arg9: memref<!tpu.dma_semaphore, #tpu.memory_space<semaphore_mem>>, %arg10: memref<!tpu.dma_semaphore, #tpu.memory_space<semaphore_mem>>) attributes {dimension_semantics = [#tpu.dimension_semantics<core_parallel>, #tpu.dimension_semantics<subcore_parallel>], iteration_bounds = array<i64: 2, 16>, scalar_prefetch = 0 : i64, scratch_operands = 6 : i64, tpu.core_type = #tpu.core_type<sc_vector_subcore>, window_params = [{transform_indices = #map}, {transform_indices = #map}, {transform_indices = #map1}]} {
    %mul3A = arith.constant 2 : i32
    %mul3A_0 = arith.muli %arg1, %mul3A : i32
    %add3A = arith.addi %mul3A_0, %arg0 : i32
    %mul3A_1 = arith.constant 10000 : i32
    %mul3A_2 = arith.muli %add3A, %mul3A_1 : i32
    %dma_start3A = tpu.memref_slice %arg2[%mul3A_2] : memref<320000xi32, #tpu.memory_space<hbm>> -> memref<10000xi32, #tpu.memory_space<hbm>>
    %dma_start3A_3 = tpu.memref_slice %arg2[%mul3A_2] : memref<320000xi32, #tpu.memory_space<hbm>> -> memref<10000xi32, #tpu.memory_space<hbm>>
    tpu.enqueue_dma source(%dma_start3A_3 : memref<10000xi32, #tpu.memory_space<hbm>>) target(%arg5 : memref<10000xi32, #tpu.memory_space<vmem>>) target_semaphore(%arg9 : memref<!tpu.dma_semaphore, #tpu.memory_space<semaphore_mem>>)
    %mul3A_4 = arith.constant 10000 : i32
    %mul3A_5 = arith.muli %add3A, %mul3A_4 : i32
    %dma_start3A_6 = tpu.memref_slice %arg3[%mul3A_5] : memref<320000xi32, #tpu.memory_space<hbm>> -> memref<10000xi32, #tpu.memory_space<hbm>>
    %dma_start3A_7 = tpu.memref_slice %arg3[%mul3A_5] : memref<320000xi32, #tpu.memory_space<hbm>> -> memref<10000xi32, #tpu.memory_space<hbm>>
    tpu.enqueue_dma source(%dma_start3A_7 : memref<10000xi32, #tpu.memory_space<hbm>>) target(%arg6 : memref<10000xi32, #tpu.memory_space<vmem>>) target_semaphore(%arg10 : memref<!tpu.dma_semaphore, #tpu.memory_space<semaphore_mem>>)
    %scan3A = arith.constant 0 : i32
    %scan3A_8 = arith.constant 0 : i32
    %scan3A_9 = arith.constant 625 : i32
    %scan3A_10 = arith.addi %scan3A_8, %scan3A_9 : i32
    %scan3A_11 = arith.constant 1 : i32
    %scan3A_12 = scf.for %scan3A_37 = %scan3A_8 to %scan3A_10 step %scan3A_11 iter_args(%scan3A_38 = %scan3A) -> (i32)  : i32 {
      %broadcast_in_dim3A_39 = arith.constant 0.000000e+00 : f32
      %broadcast_in_dim3A_40 = vector.broadcast %broadcast_in_dim3A_39 : f32 to vector<16xf32>
      %mul3A_41 = arith.constant 16 : i32
      %mul3A_42 = arith.muli %scan3A_37, %mul3A_41 : i32
      %swap3A = arith.index_cast %mul3A_42 : i32 to index
      %swap3A_43 = tpu.vector_load %arg7[%swap3A] {strides = array<i32>} : memref<10000xf32, #tpu.memory_space<vmem>>, vector<16xf32>,
      tpu.vector_store %arg7[%swap3A], %broadcast_in_dim3A_40 {strides = array<i32>} : memref<10000xf32, #tpu.memory_space<vmem>>, vector<16xf32>,
      %broadcast_in_dim3A_44 = arith.constant 0.000000e+00 : f32
      %broadcast_in_dim3A_45 = vector.broadcast %broadcast_in_dim3A_44 : f32 to vector<16xf32>
      %mul3A_46 = arith.constant 16 : i32
      %mul3A_47 = arith.muli %scan3A_37, %mul3A_46 : i32
      %swap3A_48 = arith.index_cast %mul3A_47 : i32 to index
      %swap3A_49 = tpu.vector_load %arg8[%swap3A_48] {strides = array<i32>} : memref<10000xf32, #tpu.memory_space<vmem>>, vector<16xf32>,
      tpu.vector_store %arg8[%swap3A_48], %broadcast_in_dim3A_45 {strides = array<i32>} : memref<10000xf32, #tpu.memory_space<vmem>>, vector<16xf32>,
      %scan3A_50 = arith.constant 0 : i32
      scf.yield %scan3A_50 : i32
    }
    %scan3A_13 = arith.constant 625 : i32
    %broadcast_in_dim3A = arith.constant 1.000000e+00 : f32
    %broadcast_in_dim3A_14 = vector.broadcast %broadcast_in_dim3A : f32 to vector<16xf32>
    %mul3A_15 = arith.constant 10000 : i32
    %mul3A_16 = arith.muli %add3A, %mul3A_15 : i32
    %dma_wait3A = tpu.memref_slice %arg2[%mul3A_16] : memref<320000xi32, #tpu.memory_space<hbm>> -> memref<10000xi32, #tpu.memory_space<hbm>>
    %dma_wait3A_17 = tpu.memref_slice %arg2[%mul3A_16] : memref<320000xi32, #tpu.memory_space<hbm>> -> memref<10000xi32, #tpu.memory_space<hbm>>
    tpu.wait_dma2 semaphore(%arg9 : memref<!tpu.dma_semaphore, #tpu.memory_space<semaphore_mem>>) src(%dma_wait3A_17 : memref<10000xi32, #tpu.memory_space<hbm>>) dst(%arg5 : memref<10000xi32, #tpu.memory_space<vmem>>)
    %scan3A_18 = arith.constant 0 : i32
    %scan3A_19 = arith.constant 0 : i32
    %scan3A_20 = arith.constant 625 : i32
    %scan3A_21 = arith.addi %scan3A_19, %scan3A_20 : i32
    %scan3A_22 = arith.constant 1 : i32
    %scan3A_23 = scf.for %scan3A_37 = %scan3A_19 to %scan3A_21 step %scan3A_22 iter_args(%scan3A_38 = %scan3A_18) -> (i32)  : i32 {
      %mul3A_39 = arith.constant 16 : i32
      %mul3A_40 = arith.muli %scan3A_37, %mul3A_39 : i32
      %get3A = arith.index_cast %mul3A_40 : i32 to index
      %get3A_41 = tpu.vector_load %arg5[%get3A] {strides = array<i32>} : memref<10000xi32, #tpu.memory_space<vmem>>, vector<16xi32>,
      tpu.vector_store_idx %arg7[%get3A_41], %broadcast_in_dim3A_14 {add = true} : memref<10000xf32, #tpu.memory_space<vmem>>[vector<16xi32>], vector<16xf32>,
      %scan3A_42 = arith.constant 0 : i32
      scf.yield %scan3A_42 : i32
    }
    %scan3A_24 = arith.constant 625 : i32
    %mul3A_25 = arith.constant 10000 : i32
    %mul3A_26 = arith.muli %add3A, %mul3A_25 : i32
    %dma_wait3A_27 = tpu.memref_slice %arg3[%mul3A_26] : memref<320000xi32, #tpu.memory_space<hbm>> -> memref<10000xi32, #tpu.memory_space<hbm>>
    %dma_wait3A_28 = tpu.memref_slice %arg3[%mul3A_26] : memref<320000xi32, #tpu.memory_space<hbm>> -> memref<10000xi32, #tpu.memory_space<hbm>>
    tpu.wait_dma2 semaphore(%arg10 : memref<!tpu.dma_semaphore, #tpu.memory_space<semaphore_mem>>) src(%dma_wait3A_28 : memref<10000xi32, #tpu.memory_space<hbm>>) dst(%arg6 : memref<10000xi32, #tpu.memory_space<vmem>>)
    %scan3A_29 = arith.constant 0 : i32
    %scan3A_30 = arith.constant 0 : i32
    %scan3A_31 = arith.constant 625 : i32
    %scan3A_32 = arith.addi %scan3A_30, %scan3A_31 : i32
    %scan3A_33 = arith.constant 1 : i32
    %scan3A_34 = scf.for %scan3A_37 = %scan3A_30 to %scan3A_32 step %scan3A_33 iter_args(%scan3A_38 = %scan3A_29) -> (i32)  : i32 {
      %mul3A_39 = arith.constant 16 : i32
      %mul3A_40 = arith.muli %scan3A_37, %mul3A_39 : i32
      %get3A = arith.index_cast %mul3A_40 : i32 to index
      %get3A_41 = tpu.vector_load %arg6[%get3A] {strides = array<i32>} : memref<10000xi32, #tpu.memory_space<vmem>>, vector<16xi32>,
      tpu.vector_store_idx %arg8[%get3A_41], %broadcast_in_dim3A_14 {add = true} : memref<10000xf32, #tpu.memory_space<vmem>>[vector<16xi32>], vector<16xf32>,
      %scan3A_42 = arith.constant 0 : i32
      scf.yield %scan3A_42 : i32
    }
    %scan3A_35 = arith.constant 625 : i32
    %run_scoped3A = arith.constant 0 : i32
    "tpu.region"() ({
      %run_scoped3A_37 = tpu.sem_alloc : memref<!tpu.dma_semaphore, #tpu.memory_space<semaphore_mem>>
      %dma_start3A_38 = arith.constant 0 : i32
      %dma_start3A_39 = tpu.memref_slice %arg4[%run_scoped3A, %add3A, %dma_start3A_38] : memref<2x32x10000xf32, #tpu.memory_space<hbm>> -> memref<1x1x10000xf32, #tpu.memory_space<hbm>>
      %dma_start3A_40 = tpu.memref_squeeze %dma_start3A_39 : memref<1x1x10000xf32, #tpu.memory_space<hbm>> -> memref<10000xf32, #tpu.memory_space<hbm>>
      %dma_start3A_41 = arith.constant 0 : i32
      %dma_start3A_42 = tpu.memref_slice %arg4[%run_scoped3A, %add3A, %dma_start3A_41] : memref<2x32x10000xf32, #tpu.memory_space<hbm>> -> memref<1x1x10000xf32, #tpu.memory_space<hbm>>
      %dma_start3A_43 = tpu.memref_squeeze %dma_start3A_42 : memref<1x1x10000xf32, #tpu.memory_space<hbm>> -> memref<10000xf32, #tpu.memory_space<hbm>>
      tpu.enqueue_dma source(%arg7 : memref<10000xf32, #tpu.memory_space<vmem>>) target(%dma_start3A_43 : memref<10000xf32, #tpu.memory_space<hbm>>) target_semaphore(%run_scoped3A_37 : memref<!tpu.dma_semaphore, #tpu.memory_space<semaphore_mem>>)
      %dma_wait3A_44 = arith.constant 0 : i32
      %dma_wait3A_45 = tpu.memref_slice %arg4[%run_scoped3A, %add3A, %dma_wait3A_44] : memref<2x32x10000xf32, #tpu.memory_space<hbm>> -> memref<1x1x10000xf32, #tpu.memory_space<hbm>>
      %dma_wait3A_46 = tpu.memref_squeeze %dma_wait3A_45 : memref<1x1x10000xf32, #tpu.memory_space<hbm>> -> memref<10000xf32, #tpu.memory_space<hbm>>
      %dma_wait3A_47 = arith.constant 0 : i32
      %dma_wait3A_48 = tpu.memref_slice %arg4[%run_scoped3A, %add3A, %dma_wait3A_47] : memref<2x32x10000xf32, #tpu.memory_space<hbm>> -> memref<1x1x10000xf32, #tpu.memory_space<hbm>>
      %dma_wait3A_49 = tpu.memref_squeeze %dma_wait3A_48 : memref<1x1x10000xf32, #tpu.memory_space<hbm>> -> memref<10000xf32, #tpu.memory_space<hbm>>
      tpu.wait_dma2 semaphore(%run_scoped3A_37 : memref<!tpu.dma_semaphore, #tpu.memory_space<semaphore_mem>>) src(%arg7 : memref<10000xf32, #tpu.memory_space<vmem>>) dst(%dma_wait3A_49 : memref<10000xf32, #tpu.memory_space<hbm>>)
      tpu.yield
    }) : () -> ()
    %run_scoped3A_36 = arith.constant 1 : i32
    "tpu.region"() ({
      %run_scoped3A_37 = tpu.sem_alloc : memref<!tpu.dma_semaphore, #tpu.memory_space<semaphore_mem>>
      %dma_start3A_38 = arith.constant 0 : i32
      %dma_start3A_39 = tpu.memref_slice %arg4[%run_scoped3A_36, %add3A, %dma_start3A_38] : memref<2x32x10000xf32, #tpu.memory_space<hbm>> -> memref<1x1x10000xf32, #tpu.memory_space<hbm>>
      %dma_start3A_40 = tpu.memref_squeeze %dma_start3A_39 : memref<1x1x10000xf32, #tpu.memory_space<hbm>> -> memref<10000xf32, #tpu.memory_space<hbm>>
      %dma_start3A_41 = arith.constant 0 : i32
      %dma_start3A_42 = tpu.memref_slice %arg4[%run_scoped3A_36, %add3A, %dma_start3A_41] : memref<2x32x10000xf32, #tpu.memory_space<hbm>> -> memref<1x1x10000xf32, #tpu.memory_space<hbm>>
      %dma_start3A_43 = tpu.memref_squeeze %dma_start3A_42 : memref<1x1x10000xf32, #tpu.memory_space<hbm>> -> memref<10000xf32, #tpu.memory_space<hbm>>
      tpu.enqueue_dma source(%arg8 : memref<10000xf32, #tpu.memory_space<vmem>>) target(%dma_start3A_43 : memref<10000xf32, #tpu.memory_space<hbm>>) target_semaphore(%run_scoped3A_37 : memref<!tpu.dma_semaphore, #tpu.memory_space<semaphore_mem>>)
      %dma_wait3A_44 = arith.constant 0 : i32
      %dma_wait3A_45 = tpu.memref_slice %arg4[%run_scoped3A_36, %add3A, %dma_wait3A_44] : memref<2x32x10000xf32, #tpu.memory_space<hbm>> -> memref<1x1x10000xf32, #tpu.memory_space<hbm>>
      %dma_wait3A_46 = tpu.memref_squeeze %dma_wait3A_45 : memref<1x1x10000xf32, #tpu.memory_space<hbm>> -> memref<10000xf32, #tpu.memory_space<hbm>>
      %dma_wait3A_47 = arith.constant 0 : i32
      %dma_wait3A_48 = tpu.memref_slice %arg4[%run_scoped3A_36, %add3A, %dma_wait3A_47] : memref<2x32x10000xf32, #tpu.memory_space<hbm>> -> memref<1x1x10000xf32, #tpu.memory_space<hbm>>
      %dma_wait3A_49 = tpu.memref_squeeze %dma_wait3A_48 : memref<1x1x10000xf32, #tpu.memory_space<hbm>> -> memref<10000xf32, #tpu.memory_space<hbm>>
      tpu.wait_dma2 semaphore(%run_scoped3A_37 : memref<!tpu.dma_semaphore, #tpu.memory_space<semaphore_mem>>) src(%arg8 : memref<10000xf32, #tpu.memory_space<vmem>>) dst(%dma_wait3A_49 : memref<10000xf32, #tpu.memory_space<hbm>>)
      tpu.yield
    }) : () -> ()
    return
  }
}

#map = affine_map<(d0, d1) -> (0, 0)>
#map1 = affine_map<(d0, d1) -> (0, 0, 0)>
module attributes {stable_mosaic.version = 14 : i64} {
  func.func @body(%arg0: i32, %arg1: i32, %arg2: memref<10000x128xf32, #tpu.memory_space<hbm>>, %arg3: memref<32x125x80xi32, #tpu.memory_space<hbm>>, %arg4: memref<32x125x80xi32, #tpu.memory_space<hbm>>, %arg5: memref<2x10000x128xf32, #tpu.memory_space<hbm>>, %arg6: memref<125x80xi32, #tpu.memory_space<vmem>>, %arg7: memref<125x80xi32, #tpu.memory_space<vmem>>, %arg8: memref<3x80x128xf32, #tpu.memory_space<vmem>>, %arg9: memref<10000x128xf32, #tpu.memory_space<vmem_shared>>, %arg10: memref<3x!tpu.dma_semaphore, #tpu.memory_space<semaphore_mem>>, %arg11: memref<3x!tpu.dma_semaphore, #tpu.memory_space<semaphore_mem>>) attributes {dimension_semantics = [#tpu.dimension_semantics<core_parallel>, #tpu.dimension_semantics<subcore_parallel>], iteration_bounds = array<i64: 2, 16>, scalar_prefetch = 0 : i64, scratch_operands = 6 : i64, tpu.core_type = #tpu.core_type<sc_vector_subcore>, window_params = [{transform_indices = #map}, {transform_indices = #map1}, {transform_indices = #map1}, {transform_indices = #map1}]} {
    %mul3A = arith.constant 2 : i32
    %mul3A_0 = arith.muli %arg1, %mul3A : i32
    %add3A = arith.addi %mul3A_0, %arg0 : i32
    %scan3A = arith.constant 0 : i32
    %scan3A_1 = arith.constant 0 : i32
    %scan3A_2 = arith.constant 80 : i32
    %scan3A_3 = arith.addi %scan3A_1, %scan3A_2 : i32
    %scan3A_4 = arith.constant 1 : i32
    %scan3A_5 = scf.for %scan3A_101 = %scan3A_1 to %scan3A_3 step %scan3A_4 iter_args(%scan3A_102 = %scan3A) -> (i32)  : i32 {
      %broadcast_in_dim3A = arith.constant 0.000000e+00 : f32
      %broadcast_in_dim3A_103 = vector.broadcast %broadcast_in_dim3A : f32 to vector<16xf32>
      %swap3A = arith.constant 0 : i32
      %swap3A_104 = arith.index_cast %swap3A : i32 to index
      %swap3A_105 = arith.index_cast %scan3A_101 : i32 to index
      %swap3A_106 = arith.constant 0 : index
      %swap3A_107 = tpu.vector_load %arg8[%swap3A_104, %swap3A_105, %swap3A_106] {strides = array<i32>} : memref<3x80x128xf32, #tpu.memory_space<vmem>>, vector<16xf32>,
      tpu.vector_store %arg8[%swap3A_104, %swap3A_105, %swap3A_106], %broadcast_in_dim3A_103 {strides = array<i32>} : memref<3x80x128xf32, #tpu.memory_space<vmem>>, vector<16xf32>,
      %broadcast_in_dim3A_108 = arith.constant 0.000000e+00 : f32
      %broadcast_in_dim3A_109 = vector.broadcast %broadcast_in_dim3A_108 : f32 to vector<16xf32>
      %swap3A_110 = arith.constant 0 : i32
      %swap3A_111 = arith.index_cast %swap3A_110 : i32 to index
      %swap3A_112 = arith.index_cast %scan3A_101 : i32 to index
      %swap3A_113 = arith.constant 16 : index
      %swap3A_114 = tpu.vector_load %arg8[%swap3A_111, %swap3A_112, %swap3A_113] {strides = array<i32>} : memref<3x80x128xf32, #tpu.memory_space<vmem>>, vector<16xf32>,
      tpu.vector_store %arg8[%swap3A_111, %swap3A_112, %swap3A_113], %broadcast_in_dim3A_109 {strides = array<i32>} : memref<3x80x128xf32, #tpu.memory_space<vmem>>, vector<16xf32>,
      %broadcast_in_dim3A_115 = arith.constant 0.000000e+00 : f32
      %broadcast_in_dim3A_116 = vector.broadcast %broadcast_in_dim3A_115 : f32 to vector<16xf32>
      %swap3A_117 = arith.constant 0 : i32
      %swap3A_118 = arith.index_cast %swap3A_117 : i32 to index
      %swap3A_119 = arith.index_cast %scan3A_101 : i32 to index
      %swap3A_120 = arith.constant 32 : index
      %swap3A_121 = tpu.vector_load %arg8[%swap3A_118, %swap3A_119, %swap3A_120] {strides = array<i32>} : memref<3x80x128xf32, #tpu.memory_space<vmem>>, vector<16xf32>,
      tpu.vector_store %arg8[%swap3A_118, %swap3A_119, %swap3A_120], %broadcast_in_dim3A_116 {strides = array<i32>} : memref<3x80x128xf32, #tpu.memory_space<vmem>>, vector<16xf32>,
      %broadcast_in_dim3A_122 = arith.constant 0.000000e+00 : f32
      %broadcast_in_dim3A_123 = vector.broadcast %broadcast_in_dim3A_122 : f32 to vector<16xf32>
      %swap3A_124 = arith.constant 0 : i32
      %swap3A_125 = arith.index_cast %swap3A_124 : i32 to index
      %swap3A_126 = arith.index_cast %scan3A_101 : i32 to index
      %swap3A_127 = arith.constant 48 : index
      %swap3A_128 = tpu.vector_load %arg8[%swap3A_125, %swap3A_126, %swap3A_127] {strides = array<i32>} : memref<3x80x128xf32, #tpu.memory_space<vmem>>, vector<16xf32>,
      tpu.vector_store %arg8[%swap3A_125, %swap3A_126, %swap3A_127], %broadcast_in_dim3A_123 {strides = array<i32>} : memref<3x80x128xf32, #tpu.memory_space<vmem>>, vector<16xf32>,
      %broadcast_in_dim3A_129 = arith.constant 0.000000e+00 : f32
      %broadcast_in_dim3A_130 = vector.broadcast %broadcast_in_dim3A_129 : f32 to vector<16xf32>
      %swap3A_131 = arith.constant 0 : i32
      %swap3A_132 = arith.index_cast %swap3A_131 : i32 to index
      %swap3A_133 = arith.index_cast %scan3A_101 : i32 to index
      %swap3A_134 = arith.constant 64 : index
      %swap3A_135 = tpu.vector_load %arg8[%swap3A_132, %swap3A_133, %swap3A_134] {strides = array<i32>} : memref<3x80x128xf32, #tpu.memory_space<vmem>>, vector<16xf32>,
      tpu.vector_store %arg8[%swap3A_132, %swap3A_133, %swap3A_134], %broadcast_in_dim3A_130 {strides = array<i32>} : memref<3x80x128xf32, #tpu.memory_space<vmem>>, vector<16xf32>,
      %broadcast_in_dim3A_136 = arith.constant 0.000000e+00 : f32
      %broadcast_in_dim3A_137 = vector.broadcast %broadcast_in_dim3A_136 : f32 to vector<16xf32>
      %swap3A_138 = arith.constant 0 : i32
      %swap3A_139 = arith.index_cast %swap3A_138 : i32 to index
      %swap3A_140 = arith.index_cast %scan3A_101 : i32 to index
      %swap3A_141 = arith.constant 80 : index
      %swap3A_142 = tpu.vector_load %arg8[%swap3A_139, %swap3A_140, %swap3A_141] {strides = array<i32>} : memref<3x80x128xf32, #tpu.memory_space<vmem>>, vector<16xf32>,
      tpu.vector_store %arg8[%swap3A_139, %swap3A_140, %swap3A_141], %broadcast_in_dim3A_137 {strides = array<i32>} : memref<3x80x128xf32, #tpu.memory_space<vmem>>, vector<16xf32>,
      %broadcast_in_dim3A_143 = arith.constant 0.000000e+00 : f32
      %broadcast_in_dim3A_144 = vector.broadcast %broadcast_in_dim3A_143 : f32 to vector<16xf32>
      %swap3A_145 = arith.constant 0 : i32
      %swap3A_146 = arith.index_cast %swap3A_145 : i32 to index
      %swap3A_147 = arith.index_cast %scan3A_101 : i32 to index
      %swap3A_148 = arith.constant 96 : index
      %swap3A_149 = tpu.vector_load %arg8[%swap3A_146, %swap3A_147, %swap3A_148] {strides = array<i32>} : memref<3x80x128xf32, #tpu.memory_space<vmem>>, vector<16xf32>,
      tpu.vector_store %arg8[%swap3A_146, %swap3A_147, %swap3A_148], %broadcast_in_dim3A_144 {strides = array<i32>} : memref<3x80x128xf32, #tpu.memory_space<vmem>>, vector<16xf32>,
      %broadcast_in_dim3A_150 = arith.constant 0.000000e+00 : f32
      %broadcast_in_dim3A_151 = vector.broadcast %broadcast_in_dim3A_150 : f32 to vector<16xf32>
      %swap3A_152 = arith.constant 0 : i32
      %swap3A_153 = arith.index_cast %swap3A_152 : i32 to index
      %swap3A_154 = arith.index_cast %scan3A_101 : i32 to index
      %swap3A_155 = arith.constant 112 : index
      %swap3A_156 = tpu.vector_load %arg8[%swap3A_153, %swap3A_154, %swap3A_155] {strides = array<i32>} : memref<3x80x128xf32, #tpu.memory_space<vmem>>, vector<16xf32>,
      tpu.vector_store %arg8[%swap3A_153, %swap3A_154, %swap3A_155], %broadcast_in_dim3A_151 {strides = array<i32>} : memref<3x80x128xf32, #tpu.memory_space<vmem>>, vector<16xf32>,
      %broadcast_in_dim3A_157 = arith.constant 0.000000e+00 : f32
      %broadcast_in_dim3A_158 = vector.broadcast %broadcast_in_dim3A_157 : f32 to vector<16xf32>
      %swap3A_159 = arith.constant 1 : i32
      %swap3A_160 = arith.index_cast %swap3A_159 : i32 to index
      %swap3A_161 = arith.index_cast %scan3A_101 : i32 to index
      %swap3A_162 = arith.constant 0 : index
      %swap3A_163 = tpu.vector_load %arg8[%swap3A_160, %swap3A_161, %swap3A_162] {strides = array<i32>} : memref<3x80x128xf32, #tpu.memory_space<vmem>>, vector<16xf32>,
      tpu.vector_store %arg8[%swap3A_160, %swap3A_161, %swap3A_162], %broadcast_in_dim3A_158 {strides = array<i32>} : memref<3x80x128xf32, #tpu.memory_space<vmem>>, vector<16xf32>,
      %broadcast_in_dim3A_164 = arith.constant 0.000000e+00 : f32
      %broadcast_in_dim3A_165 = vector.broadcast %broadcast_in_dim3A_164 : f32 to vector<16xf32>
      %swap3A_166 = arith.constant 1 : i32
      %swap3A_167 = arith.index_cast %swap3A_166 : i32 to index
      %swap3A_168 = arith.index_cast %scan3A_101 : i32 to index
      %swap3A_169 = arith.constant 16 : index
      %swap3A_170 = tpu.vector_load %arg8[%swap3A_167, %swap3A_168, %swap3A_169] {strides = array<i32>} : memref<3x80x128xf32, #tpu.memory_space<vmem>>, vector<16xf32>,
      tpu.vector_store %arg8[%swap3A_167, %swap3A_168, %swap3A_169], %broadcast_in_dim3A_165 {strides = array<i32>} : memref<3x80x128xf32, #tpu.memory_space<vmem>>, vector<16xf32>,
      %broadcast_in_dim3A_171 = arith.constant 0.000000e+00 : f32
      %broadcast_in_dim3A_172 = vector.broadcast %broadcast_in_dim3A_171 : f32 to vector<16xf32>
      %swap3A_173 = arith.constant 1 : i32
      %swap3A_174 = arith.index_cast %swap3A_173 : i32 to index
      %swap3A_175 = arith.index_cast %scan3A_101 : i32 to index
      %swap3A_176 = arith.constant 32 : index
      %swap3A_177 = tpu.vector_load %arg8[%swap3A_174, %swap3A_175, %swap3A_176] {strides = array<i32>} : memref<3x80x128xf32, #tpu.memory_space<vmem>>, vector<16xf32>,
      tpu.vector_store %arg8[%swap3A_174, %swap3A_175, %swap3A_176], %broadcast_in_dim3A_172 {strides = array<i32>} : memref<3x80x128xf32, #tpu.memory_space<vmem>>, vector<16xf32>,
      %broadcast_in_dim3A_178 = arith.constant 0.000000e+00 : f32
      %broadcast_in_dim3A_179 = vector.broadcast %broadcast_in_dim3A_178 : f32 to vector<16xf32>
      %swap3A_180 = arith.constant 1 : i32
      %swap3A_181 = arith.index_cast %swap3A_180 : i32 to index
      %swap3A_182 = arith.index_cast %scan3A_101 : i32 to index
      %swap3A_183 = arith.constant 48 : index
      %swap3A_184 = tpu.vector_load %arg8[%swap3A_181, %swap3A_182, %swap3A_183] {strides = array<i32>} : memref<3x80x128xf32, #tpu.memory_space<vmem>>, vector<16xf32>,
      tpu.vector_store %arg8[%swap3A_181, %swap3A_182, %swap3A_183], %broadcast_in_dim3A_179 {strides = array<i32>} : memref<3x80x128xf32, #tpu.memory_space<vmem>>, vector<16xf32>,
      %broadcast_in_dim3A_185 = arith.constant 0.000000e+00 : f32
      %broadcast_in_dim3A_186 = vector.broadcast %broadcast_in_dim3A_185 : f32 to vector<16xf32>
      %swap3A_187 = arith.constant 1 : i32
      %swap3A_188 = arith.index_cast %swap3A_187 : i32 to index
      %swap3A_189 = arith.index_cast %scan3A_101 : i32 to index
      %swap3A_190 = arith.constant 64 : index
      %swap3A_191 = tpu.vector_load %arg8[%swap3A_188, %swap3A_189, %swap3A_190] {strides = array<i32>} : memref<3x80x128xf32, #tpu.memory_space<vmem>>, vector<16xf32>,
      tpu.vector_store %arg8[%swap3A_188, %swap3A_189, %swap3A_190], %broadcast_in_dim3A_186 {strides = array<i32>} : memref<3x80x128xf32, #tpu.memory_space<vmem>>, vector<16xf32>,
      %broadcast_in_dim3A_192 = arith.constant 0.000000e+00 : f32
      %broadcast_in_dim3A_193 = vector.broadcast %broadcast_in_dim3A_192 : f32 to vector<16xf32>
      %swap3A_194 = arith.constant 1 : i32
      %swap3A_195 = arith.index_cast %swap3A_194 : i32 to index
      %swap3A_196 = arith.index_cast %scan3A_101 : i32 to index
      %swap3A_197 = arith.constant 80 : index
      %swap3A_198 = tpu.vector_load %arg8[%swap3A_195, %swap3A_196, %swap3A_197] {strides = array<i32>} : memref<3x80x128xf32, #tpu.memory_space<vmem>>, vector<16xf32>,
      tpu.vector_store %arg8[%swap3A_195, %swap3A_196, %swap3A_197], %broadcast_in_dim3A_193 {strides = array<i32>} : memref<3x80x128xf32, #tpu.memory_space<vmem>>, vector<16xf32>,
      %broadcast_in_dim3A_199 = arith.constant 0.000000e+00 : f32
      %broadcast_in_dim3A_200 = vector.broadcast %broadcast_in_dim3A_199 : f32 to vector<16xf32>
      %swap3A_201 = arith.constant 1 : i32
      %swap3A_202 = arith.index_cast %swap3A_201 : i32 to index
      %swap3A_203 = arith.index_cast %scan3A_101 : i32 to index
      %swap3A_204 = arith.constant 96 : index
      %swap3A_205 = tpu.vector_load %arg8[%swap3A_202, %swap3A_203, %swap3A_204] {strides = array<i32>} : memref<3x80x128xf32, #tpu.memory_space<vmem>>, vector<16xf32>,
      tpu.vector_store %arg8[%swap3A_202, %swap3A_203, %swap3A_204], %broadcast_in_dim3A_200 {strides = array<i32>} : memref<3x80x128xf32, #tpu.memory_space<vmem>>, vector<16xf32>,
      %broadcast_in_dim3A_206 = arith.constant 0.000000e+00 : f32
      %broadcast_in_dim3A_207 = vector.broadcast %broadcast_in_dim3A_206 : f32 to vector<16xf32>
      %swap3A_208 = arith.constant 1 : i32
      %swap3A_209 = arith.index_cast %swap3A_208 : i32 to index
      %swap3A_210 = arith.index_cast %scan3A_101 : i32 to index
      %swap3A_211 = arith.constant 112 : index
      %swap3A_212 = tpu.vector_load %arg8[%swap3A_209, %swap3A_210, %swap3A_211] {strides = array<i32>} : memref<3x80x128xf32, #tpu.memory_space<vmem>>, vector<16xf32>,
      tpu.vector_store %arg8[%swap3A_209, %swap3A_210, %swap3A_211], %broadcast_in_dim3A_207 {strides = array<i32>} : memref<3x80x128xf32, #tpu.memory_space<vmem>>, vector<16xf32>,
      %scan3A_213 = arith.constant 0 : i32
      scf.yield %scan3A_213 : i32
    }
    %scan3A_6 = arith.constant 80 : i32
    %mul3A_7 = arith.constant 625 : i32
    %mul3A_8 = arith.muli %arg1, %mul3A_7 : i32
    %add3A_9 = arith.constant 0 : i32
    %add3A_10 = arith.addi %mul3A_8, %add3A_9 : i32
    %run_scoped3A = arith.constant 0 : i32
    "tpu.region"() ({
      %run_scoped3A_101 = tpu.sem_alloc : memref<!tpu.dma_semaphore, #tpu.memory_space<semaphore_mem>>
      %dma_start3A_102 = arith.constant 0 : i32
      %dma_start3A_103 = arith.constant 0 : i32
      %dma_start3A_104 = tpu.memref_slice %arg8[%run_scoped3A, %dma_start3A_102, %dma_start3A_103] : memref<3x80x128xf32, #tpu.memory_space<vmem>> -> memref<1x80x128xf32, #tpu.memory_space<vmem>>
      %dma_start3A_105 = tpu.memref_squeeze %dma_start3A_104 : memref<1x80x128xf32, #tpu.memory_space<vmem>> -> memref<80x128xf32, #tpu.memory_space<vmem>>
      %dma_start3A_106 = arith.constant 0 : i32
      %dma_start3A_107 = tpu.memref_slice %arg9[%add3A_10, %dma_start3A_106] : memref<10000x128xf32, #tpu.memory_space<vmem_shared>> -> memref<80x128xf32, #tpu.memory_space<vmem_shared>>
      %dma_start3A_108 = arith.constant 0 : i32
      %dma_start3A_109 = tpu.memref_slice %arg9[%add3A_10, %dma_start3A_108] : memref<10000x128xf32, #tpu.memory_space<vmem_shared>> -> memref<80x128xf32, #tpu.memory_space<vmem_shared>>
      %dma_start3A_110 = arith.constant 0 : i32
      %dma_start3A_111 = arith.constant 0 : i32
      %dma_start3A_112 = tpu.memref_slice %arg8[%run_scoped3A, %dma_start3A_110, %dma_start3A_111] : memref<3x80x128xf32, #tpu.memory_space<vmem>> -> memref<1x80x128xf32, #tpu.memory_space<vmem>>
      %dma_start3A_113 = tpu.memref_squeeze %dma_start3A_112 : memref<1x80x128xf32, #tpu.memory_space<vmem>> -> memref<80x128xf32, #tpu.memory_space<vmem>>
      tpu.enqueue_dma source(%dma_start3A_113 : memref<80x128xf32, #tpu.memory_space<vmem>>) target(%dma_start3A_109 : memref<80x128xf32, #tpu.memory_space<vmem_shared>>) target_semaphore(%run_scoped3A_101 : memref<!tpu.dma_semaphore, #tpu.memory_space<semaphore_mem>>)
      %dma_wait3A_114 = arith.constant 0 : i32
      %dma_wait3A_115 = arith.constant 0 : i32
      %dma_wait3A_116 = tpu.memref_slice %arg8[%run_scoped3A, %dma_wait3A_114, %dma_wait3A_115] : memref<3x80x128xf32, #tpu.memory_space<vmem>> -> memref<1x80x128xf32, #tpu.memory_space<vmem>>
      %dma_wait3A_117 = tpu.memref_squeeze %dma_wait3A_116 : memref<1x80x128xf32, #tpu.memory_space<vmem>> -> memref<80x128xf32, #tpu.memory_space<vmem>>
      %dma_wait3A_118 = arith.constant 0 : i32
      %dma_wait3A_119 = tpu.memref_slice %arg9[%add3A_10, %dma_wait3A_118] : memref<10000x128xf32, #tpu.memory_space<vmem_shared>> -> memref<80x128xf32, #tpu.memory_space<vmem_shared>>
      %dma_wait3A_120 = arith.constant 0 : i32
      %dma_wait3A_121 = tpu.memref_slice %arg9[%add3A_10, %dma_wait3A_120] : memref<10000x128xf32, #tpu.memory_space<vmem_shared>> -> memref<80x128xf32, #tpu.memory_space<vmem_shared>>
      %dma_wait3A_122 = arith.constant 0 : i32
      %dma_wait3A_123 = arith.constant 0 : i32
      %dma_wait3A_124 = tpu.memref_slice %arg8[%run_scoped3A, %dma_wait3A_122, %dma_wait3A_123] : memref<3x80x128xf32, #tpu.memory_space<vmem>> -> memref<1x80x128xf32, #tpu.memory_space<vmem>>
      %dma_wait3A_125 = tpu.memref_squeeze %dma_wait3A_124 : memref<1x80x128xf32, #tpu.memory_space<vmem>> -> memref<80x128xf32, #tpu.memory_space<vmem>>
      tpu.wait_dma2 semaphore(%run_scoped3A_101 : memref<!tpu.dma_semaphore, #tpu.memory_space<semaphore_mem>>) src(%dma_wait3A_125 : memref<80x128xf32, #tpu.memory_space<vmem>>) dst(%dma_wait3A_121 : memref<80x128xf32, #tpu.memory_space<vmem_shared>>)
      tpu.yield
    }) : () -> ()
    %mul3A_11 = arith.constant 625 : i32
    %mul3A_12 = arith.muli %arg1, %mul3A_11 : i32
    %add3A_13 = arith.constant 80 : i32
    %add3A_14 = arith.addi %mul3A_12, %add3A_13 : i32
    %run_scoped3A_15 = arith.constant 0 : i32
    "tpu.region"() ({
      %run_scoped3A_101 = tpu.sem_alloc : memref<!tpu.dma_semaphore, #tpu.memory_space<semaphore_mem>>
      %dma_start3A_102 = arith.constant 0 : i32
      %dma_start3A_103 = arith.constant 0 : i32
      %dma_start3A_104 = tpu.memref_slice %arg8[%run_scoped3A_15, %dma_start3A_102, %dma_start3A_103] : memref<3x80x128xf32, #tpu.memory_space<vmem>> -> memref<1x80x128xf32, #tpu.memory_space<vmem>>
      %dma_start3A_105 = tpu.memref_squeeze %dma_start3A_104 : memref<1x80x128xf32, #tpu.memory_space<vmem>> -> memref<80x128xf32, #tpu.memory_space<vmem>>
      %dma_start3A_106 = arith.constant 0 : i32
      %dma_start3A_107 = tpu.memref_slice %arg9[%add3A_14, %dma_start3A_106] : memref<10000x128xf32, #tpu.memory_space<vmem_shared>> -> memref<80x128xf32, #tpu.memory_space<vmem_shared>>
      %dma_start3A_108 = arith.constant 0 : i32
      %dma_start3A_109 = tpu.memref_slice %arg9[%add3A_14, %dma_start3A_108] : memref<10000x128xf32, #tpu.memory_space<vmem_shared>> -> memref<80x128xf32, #tpu.memory_space<vmem_shared>>
      %dma_start3A_110 = arith.constant 0 : i32
      %dma_start3A_111 = arith.constant 0 : i32
      %dma_start3A_112 = tpu.memref_slice %arg8[%run_scoped3A_15, %dma_start3A_110, %dma_start3A_111] : memref<3x80x128xf32, #tpu.memory_space<vmem>> -> memref<1x80x128xf32, #tpu.memory_space<vmem>>
      %dma_start3A_113 = tpu.memref_squeeze %dma_start3A_112 : memref<1x80x128xf32, #tpu.memory_space<vmem>> -> memref<80x128xf32, #tpu.memory_space<vmem>>
      tpu.enqueue_dma source(%dma_start3A_113 : memref<80x128xf32, #tpu.memory_space<vmem>>) target(%dma_start3A_109 : memref<80x128xf32, #tpu.memory_space<vmem_shared>>) target_semaphore(%run_scoped3A_101 : memref<!tpu.dma_semaphore, #tpu.memory_space<semaphore_mem>>)
      %dma_wait3A_114 = arith.constant 0 : i32
      %dma_wait3A_115 = arith.constant 0 : i32
      %dma_wait3A_116 = tpu.memref_slice %arg8[%run_scoped3A_15, %dma_wait3A_114, %dma_wait3A_115] : memref<3x80x128xf32, #tpu.memory_space<vmem>> -> memref<1x80x128xf32, #tpu.memory_space<vmem>>
      %dma_wait3A_117 = tpu.memref_squeeze %dma_wait3A_116 : memref<1x80x128xf32, #tpu.memory_space<vmem>> -> memref<80x128xf32, #tpu.memory_space<vmem>>
      %dma_wait3A_118 = arith.constant 0 : i32
      %dma_wait3A_119 = tpu.memref_slice %arg9[%add3A_14, %dma_wait3A_118] : memref<10000x128xf32, #tpu.memory_space<vmem_shared>> -> memref<80x128xf32, #tpu.memory_space<vmem_shared>>
      %dma_wait3A_120 = arith.constant 0 : i32
      %dma_wait3A_121 = tpu.memref_slice %arg9[%add3A_14, %dma_wait3A_120] : memref<10000x128xf32, #tpu.memory_space<vmem_shared>> -> memref<80x128xf32, #tpu.memory_space<vmem_shared>>
      %dma_wait3A_122 = arith.constant 0 : i32
      %dma_wait3A_123 = arith.constant 0 : i32
      %dma_wait3A_124 = tpu.memref_slice %arg8[%run_scoped3A_15, %dma_wait3A_122, %dma_wait3A_123] : memref<3x80x128xf32, #tpu.memory_space<vmem>> -> memref<1x80x128xf32, #tpu.memory_space<vmem>>
      %dma_wait3A_125 = tpu.memref_squeeze %dma_wait3A_124 : memref<1x80x128xf32, #tpu.memory_space<vmem>> -> memref<80x128xf32, #tpu.memory_space<vmem>>
      tpu.wait_dma2 semaphore(%run_scoped3A_101 : memref<!tpu.dma_semaphore, #tpu.memory_space<semaphore_mem>>) src(%dma_wait3A_125 : memref<80x128xf32, #tpu.memory_space<vmem>>) dst(%dma_wait3A_121 : memref<80x128xf32, #tpu.memory_space<vmem_shared>>)
      tpu.yield
    }) : () -> ()
    %mul3A_16 = arith.constant 625 : i32
    %mul3A_17 = arith.muli %arg1, %mul3A_16 : i32
    %add3A_18 = arith.constant 160 : i32
    %add3A_19 = arith.addi %mul3A_17, %add3A_18 : i32
    %run_scoped3A_20 = arith.constant 0 : i32
    "tpu.region"() ({
      %run_scoped3A_101 = tpu.sem_alloc : memref<!tpu.dma_semaphore, #tpu.memory_space<semaphore_mem>>
      %dma_start3A_102 = arith.constant 0 : i32
      %dma_start3A_103 = arith.constant 0 : i32
      %dma_start3A_104 = tpu.memref_slice %arg8[%run_scoped3A_20, %dma_start3A_102, %dma_start3A_103] : memref<3x80x128xf32, #tpu.memory_space<vmem>> -> memref<1x80x128xf32, #tpu.memory_space<vmem>>
      %dma_start3A_105 = tpu.memref_squeeze %dma_start3A_104 : memref<1x80x128xf32, #tpu.memory_space<vmem>> -> memref<80x128xf32, #tpu.memory_space<vmem>>
      %dma_start3A_106 = arith.constant 0 : i32
      %dma_start3A_107 = tpu.memref_slice %arg9[%add3A_19, %dma_start3A_106] : memref<10000x128xf32, #tpu.memory_space<vmem_shared>> -> memref<80x128xf32, #tpu.memory_space<vmem_shared>>
      %dma_start3A_108 = arith.constant 0 : i32
      %dma_start3A_109 = tpu.memref_slice %arg9[%add3A_19, %dma_start3A_108] : memref<10000x128xf32, #tpu.memory_space<vmem_shared>> -> memref<80x128xf32, #tpu.memory_space<vmem_shared>>
      %dma_start3A_110 = arith.constant 0 : i32
      %dma_start3A_111 = arith.constant 0 : i32
      %dma_start3A_112 = tpu.memref_slice %arg8[%run_scoped3A_20, %dma_start3A_110, %dma_start3A_111] : memref<3x80x128xf32, #tpu.memory_space<vmem>> -> memref<1x80x128xf32, #tpu.memory_space<vmem>>
      %dma_start3A_113 = tpu.memref_squeeze %dma_start3A_112 : memref<1x80x128xf32, #tpu.memory_space<vmem>> -> memref<80x128xf32, #tpu.memory_space<vmem>>
      tpu.enqueue_dma source(%dma_start3A_113 : memref<80x128xf32, #tpu.memory_space<vmem>>) target(%dma_start3A_109 : memref<80x128xf32, #tpu.memory_space<vmem_shared>>) target_semaphore(%run_scoped3A_101 : memref<!tpu.dma_semaphore, #tpu.memory_space<semaphore_mem>>)
      %dma_wait3A_114 = arith.constant 0 : i32
      %dma_wait3A_115 = arith.constant 0 : i32
      %dma_wait3A_116 = tpu.memref_slice %arg8[%run_scoped3A_20, %dma_wait3A_114, %dma_wait3A_115] : memref<3x80x128xf32, #tpu.memory_space<vmem>> -> memref<1x80x128xf32, #tpu.memory_space<vmem>>
      %dma_wait3A_117 = tpu.memref_squeeze %dma_wait3A_116 : memref<1x80x128xf32, #tpu.memory_space<vmem>> -> memref<80x128xf32, #tpu.memory_space<vmem>>
      %dma_wait3A_118 = arith.constant 0 : i32
      %dma_wait3A_119 = tpu.memref_slice %arg9[%add3A_19, %dma_wait3A_118] : memref<10000x128xf32, #tpu.memory_space<vmem_shared>> -> memref<80x128xf32, #tpu.memory_space<vmem_shared>>
      %dma_wait3A_120 = arith.constant 0 : i32
      %dma_wait3A_121 = tpu.memref_slice %arg9[%add3A_19, %dma_wait3A_120] : memref<10000x128xf32, #tpu.memory_space<vmem_shared>> -> memref<80x128xf32, #tpu.memory_space<vmem_shared>>
      %dma_wait3A_122 = arith.constant 0 : i32
      %dma_wait3A_123 = arith.constant 0 : i32
      %dma_wait3A_124 = tpu.memref_slice %arg8[%run_scoped3A_20, %dma_wait3A_122, %dma_wait3A_123] : memref<3x80x128xf32, #tpu.memory_space<vmem>> -> memref<1x80x128xf32, #tpu.memory_space<vmem>>
      %dma_wait3A_125 = tpu.memref_squeeze %dma_wait3A_124 : memref<1x80x128xf32, #tpu.memory_space<vmem>> -> memref<80x128xf32, #tpu.memory_space<vmem>>
      tpu.wait_dma2 semaphore(%run_scoped3A_101 : memref<!tpu.dma_semaphore, #tpu.memory_space<semaphore_mem>>) src(%dma_wait3A_125 : memref<80x128xf32, #tpu.memory_space<vmem>>) dst(%dma_wait3A_121 : memref<80x128xf32, #tpu.memory_space<vmem_shared>>)
      tpu.yield
    }) : () -> ()
    %mul3A_21 = arith.constant 625 : i32
    %mul3A_22 = arith.muli %arg1, %mul3A_21 : i32
    %add3A_23 = arith.constant 240 : i32
    %add3A_24 = arith.addi %mul3A_22, %add3A_23 : i32
    %run_scoped3A_25 = arith.constant 0 : i32
    "tpu.region"() ({
      %run_scoped3A_101 = tpu.sem_alloc : memref<!tpu.dma_semaphore, #tpu.memory_space<semaphore_mem>>
      %dma_start3A_102 = arith.constant 0 : i32
      %dma_start3A_103 = arith.constant 0 : i32
      %dma_start3A_104 = tpu.memref_slice %arg8[%run_scoped3A_25, %dma_start3A_102, %dma_start3A_103] : memref<3x80x128xf32, #tpu.memory_space<vmem>> -> memref<1x80x128xf32, #tpu.memory_space<vmem>>
      %dma_start3A_105 = tpu.memref_squeeze %dma_start3A_104 : memref<1x80x128xf32, #tpu.memory_space<vmem>> -> memref<80x128xf32, #tpu.memory_space<vmem>>
      %dma_start3A_106 = arith.constant 0 : i32
      %dma_start3A_107 = tpu.memref_slice %arg9[%add3A_24, %dma_start3A_106] : memref<10000x128xf32, #tpu.memory_space<vmem_shared>> -> memref<80x128xf32, #tpu.memory_space<vmem_shared>>
      %dma_start3A_108 = arith.constant 0 : i32
      %dma_start3A_109 = tpu.memref_slice %arg9[%add3A_24, %dma_start3A_108] : memref<10000x128xf32, #tpu.memory_space<vmem_shared>> -> memref<80x128xf32, #tpu.memory_space<vmem_shared>>
      %dma_start3A_110 = arith.constant 0 : i32
      %dma_start3A_111 = arith.constant 0 : i32
      %dma_start3A_112 = tpu.memref_slice %arg8[%run_scoped3A_25, %dma_start3A_110, %dma_start3A_111] : memref<3x80x128xf32, #tpu.memory_space<vmem>> -> memref<1x80x128xf32, #tpu.memory_space<vmem>>
      %dma_start3A_113 = tpu.memref_squeeze %dma_start3A_112 : memref<1x80x128xf32, #tpu.memory_space<vmem>> -> memref<80x128xf32, #tpu.memory_space<vmem>>
      tpu.enqueue_dma source(%dma_start3A_113 : memref<80x128xf32, #tpu.memory_space<vmem>>) target(%dma_start3A_109 : memref<80x128xf32, #tpu.memory_space<vmem_shared>>) target_semaphore(%run_scoped3A_101 : memref<!tpu.dma_semaphore, #tpu.memory_space<semaphore_mem>>)
      %dma_wait3A_114 = arith.constant 0 : i32
      %dma_wait3A_115 = arith.constant 0 : i32
      %dma_wait3A_116 = tpu.memref_slice %arg8[%run_scoped3A_25, %dma_wait3A_114, %dma_wait3A_115] : memref<3x80x128xf32, #tpu.memory_space<vmem>> -> memref<1x80x128xf32, #tpu.memory_space<vmem>>
      %dma_wait3A_117 = tpu.memref_squeeze %dma_wait3A_116 : memref<1x80x128xf32, #tpu.memory_space<vmem>> -> memref<80x128xf32, #tpu.memory_space<vmem>>
      %dma_wait3A_118 = arith.constant 0 : i32
      %dma_wait3A_119 = tpu.memref_slice %arg9[%add3A_24, %dma_wait3A_118] : memref<10000x128xf32, #tpu.memory_space<vmem_shared>> -> memref<80x128xf32, #tpu.memory_space<vmem_shared>>
      %dma_wait3A_120 = arith.constant 0 : i32
      %dma_wait3A_121 = tpu.memref_slice %arg9[%add3A_24, %dma_wait3A_120] : memref<10000x128xf32, #tpu.memory_space<vmem_shared>> -> memref<80x128xf32, #tpu.memory_space<vmem_shared>>
      %dma_wait3A_122 = arith.constant 0 : i32
      %dma_wait3A_123 = arith.constant 0 : i32
      %dma_wait3A_124 = tpu.memref_slice %arg8[%run_scoped3A_25, %dma_wait3A_122, %dma_wait3A_123] : memref<3x80x128xf32, #tpu.memory_space<vmem>> -> memref<1x80x128xf32, #tpu.memory_space<vmem>>
      %dma_wait3A_125 = tpu.memref_squeeze %dma_wait3A_124 : memref<1x80x128xf32, #tpu.memory_space<vmem>> -> memref<80x128xf32, #tpu.memory_space<vmem>>
      tpu.wait_dma2 semaphore(%run_scoped3A_101 : memref<!tpu.dma_semaphore, #tpu.memory_space<semaphore_mem>>) src(%dma_wait3A_125 : memref<80x128xf32, #tpu.memory_space<vmem>>) dst(%dma_wait3A_121 : memref<80x128xf32, #tpu.memory_space<vmem_shared>>)
      tpu.yield
    }) : () -> ()
    %mul3A_26 = arith.constant 625 : i32
    %mul3A_27 = arith.muli %arg1, %mul3A_26 : i32
    %add3A_28 = arith.constant 320 : i32
    %add3A_29 = arith.addi %mul3A_27, %add3A_28 : i32
    %run_scoped3A_30 = arith.constant 0 : i32
    "tpu.region"() ({
      %run_scoped3A_101 = tpu.sem_alloc : memref<!tpu.dma_semaphore, #tpu.memory_space<semaphore_mem>>
      %dma_start3A_102 = arith.constant 0 : i32
      %dma_start3A_103 = arith.constant 0 : i32
      %dma_start3A_104 = tpu.memref_slice %arg8[%run_scoped3A_30, %dma_start3A_102, %dma_start3A_103] : memref<3x80x128xf32, #tpu.memory_space<vmem>> -> memref<1x80x128xf32, #tpu.memory_space<vmem>>
      %dma_start3A_105 = tpu.memref_squeeze %dma_start3A_104 : memref<1x80x128xf32, #tpu.memory_space<vmem>> -> memref<80x128xf32, #tpu.memory_space<vmem>>
      %dma_start3A_106 = arith.constant 0 : i32
      %dma_start3A_107 = tpu.memref_slice %arg9[%add3A_29, %dma_start3A_106] : memref<10000x128xf32, #tpu.memory_space<vmem_shared>> -> memref<80x128xf32, #tpu.memory_space<vmem_shared>>
      %dma_start3A_108 = arith.constant 0 : i32
      %dma_start3A_109 = tpu.memref_slice %arg9[%add3A_29, %dma_start3A_108] : memref<10000x128xf32, #tpu.memory_space<vmem_shared>> -> memref<80x128xf32, #tpu.memory_space<vmem_shared>>
      %dma_start3A_110 = arith.constant 0 : i32
      %dma_start3A_111 = arith.constant 0 : i32
      %dma_start3A_112 = tpu.memref_slice %arg8[%run_scoped3A_30, %dma_start3A_110, %dma_start3A_111] : memref<3x80x128xf32, #tpu.memory_space<vmem>> -> memref<1x80x128xf32, #tpu.memory_space<vmem>>
      %dma_start3A_113 = tpu.memref_squeeze %dma_start3A_112 : memref<1x80x128xf32, #tpu.memory_space<vmem>> -> memref<80x128xf32, #tpu.memory_space<vmem>>
      tpu.enqueue_dma source(%dma_start3A_113 : memref<80x128xf32, #tpu.memory_space<vmem>>) target(%dma_start3A_109 : memref<80x128xf32, #tpu.memory_space<vmem_shared>>) target_semaphore(%run_scoped3A_101 : memref<!tpu.dma_semaphore, #tpu.memory_space<semaphore_mem>>)
      %dma_wait3A_114 = arith.constant 0 : i32
      %dma_wait3A_115 = arith.constant 0 : i32
      %dma_wait3A_116 = tpu.memref_slice %arg8[%run_scoped3A_30, %dma_wait3A_114, %dma_wait3A_115] : memref<3x80x128xf32, #tpu.memory_space<vmem>> -> memref<1x80x128xf32, #tpu.memory_space<vmem>>
      %dma_wait3A_117 = tpu.memref_squeeze %dma_wait3A_116 : memref<1x80x128xf32, #tpu.memory_space<vmem>> -> memref<80x128xf32, #tpu.memory_space<vmem>>
      %dma_wait3A_118 = arith.constant 0 : i32
      %dma_wait3A_119 = tpu.memref_slice %arg9[%add3A_29, %dma_wait3A_118] : memref<10000x128xf32, #tpu.memory_space<vmem_shared>> -> memref<80x128xf32, #tpu.memory_space<vmem_shared>>
      %dma_wait3A_120 = arith.constant 0 : i32
      %dma_wait3A_121 = tpu.memref_slice %arg9[%add3A_29, %dma_wait3A_120] : memref<10000x128xf32, #tpu.memory_space<vmem_shared>> -> memref<80x128xf32, #tpu.memory_space<vmem_shared>>
      %dma_wait3A_122 = arith.constant 0 : i32
      %dma_wait3A_123 = arith.constant 0 : i32
      %dma_wait3A_124 = tpu.memref_slice %arg8[%run_scoped3A_30, %dma_wait3A_122, %dma_wait3A_123] : memref<3x80x128xf32, #tpu.memory_space<vmem>> -> memref<1x80x128xf32, #tpu.memory_space<vmem>>
      %dma_wait3A_125 = tpu.memref_squeeze %dma_wait3A_124 : memref<1x80x128xf32, #tpu.memory_space<vmem>> -> memref<80x128xf32, #tpu.memory_space<vmem>>
      tpu.wait_dma2 semaphore(%run_scoped3A_101 : memref<!tpu.dma_semaphore, #tpu.memory_space<semaphore_mem>>) src(%dma_wait3A_125 : memref<80x128xf32, #tpu.memory_space<vmem>>) dst(%dma_wait3A_121 : memref<80x128xf32, #tpu.memory_space<vmem_shared>>)
      tpu.yield
    }) : () -> ()
    %mul3A_31 = arith.constant 625 : i32
    %mul3A_32 = arith.muli %arg1, %mul3A_31 : i32
    %add3A_33 = arith.constant 400 : i32
    %add3A_34 = arith.addi %mul3A_32, %add3A_33 : i32
    %run_scoped3A_35 = arith.constant 0 : i32
    "tpu.region"() ({
      %run_scoped3A_101 = tpu.sem_alloc : memref<!tpu.dma_semaphore, #tpu.memory_space<semaphore_mem>>
      %dma_start3A_102 = arith.constant 0 : i32
      %dma_start3A_103 = arith.constant 0 : i32
      %dma_start3A_104 = tpu.memref_slice %arg8[%run_scoped3A_35, %dma_start3A_102, %dma_start3A_103] : memref<3x80x128xf32, #tpu.memory_space<vmem>> -> memref<1x80x128xf32, #tpu.memory_space<vmem>>
      %dma_start3A_105 = tpu.memref_squeeze %dma_start3A_104 : memref<1x80x128xf32, #tpu.memory_space<vmem>> -> memref<80x128xf32, #tpu.memory_space<vmem>>
      %dma_start3A_106 = arith.constant 0 : i32
      %dma_start3A_107 = tpu.memref_slice %arg9[%add3A_34, %dma_start3A_106] : memref<10000x128xf32, #tpu.memory_space<vmem_shared>> -> memref<80x128xf32, #tpu.memory_space<vmem_shared>>
      %dma_start3A_108 = arith.constant 0 : i32
      %dma_start3A_109 = tpu.memref_slice %arg9[%add3A_34, %dma_start3A_108] : memref<10000x128xf32, #tpu.memory_space<vmem_shared>> -> memref<80x128xf32, #tpu.memory_space<vmem_shared>>
      %dma_start3A_110 = arith.constant 0 : i32
      %dma_start3A_111 = arith.constant 0 : i32
      %dma_start3A_112 = tpu.memref_slice %arg8[%run_scoped3A_35, %dma_start3A_110, %dma_start3A_111] : memref<3x80x128xf32, #tpu.memory_space<vmem>> -> memref<1x80x128xf32, #tpu.memory_space<vmem>>
      %dma_start3A_113 = tpu.memref_squeeze %dma_start3A_112 : memref<1x80x128xf32, #tpu.memory_space<vmem>> -> memref<80x128xf32, #tpu.memory_space<vmem>>
      tpu.enqueue_dma source(%dma_start3A_113 : memref<80x128xf32, #tpu.memory_space<vmem>>) target(%dma_start3A_109 : memref<80x128xf32, #tpu.memory_space<vmem_shared>>) target_semaphore(%run_scoped3A_101 : memref<!tpu.dma_semaphore, #tpu.memory_space<semaphore_mem>>)
      %dma_wait3A_114 = arith.constant 0 : i32
      %dma_wait3A_115 = arith.constant 0 : i32
      %dma_wait3A_116 = tpu.memref_slice %arg8[%run_scoped3A_35, %dma_wait3A_114, %dma_wait3A_115] : memref<3x80x128xf32, #tpu.memory_space<vmem>> -> memref<1x80x128xf32, #tpu.memory_space<vmem>>
      %dma_wait3A_117 = tpu.memref_squeeze %dma_wait3A_116 : memref<1x80x128xf32, #tpu.memory_space<vmem>> -> memref<80x128xf32, #tpu.memory_space<vmem>>
      %dma_wait3A_118 = arith.constant 0 : i32
      %dma_wait3A_119 = tpu.memref_slice %arg9[%add3A_34, %dma_wait3A_118] : memref<10000x128xf32, #tpu.memory_space<vmem_shared>> -> memref<80x128xf32, #tpu.memory_space<vmem_shared>>
      %dma_wait3A_120 = arith.constant 0 : i32
      %dma_wait3A_121 = tpu.memref_slice %arg9[%add3A_34, %dma_wait3A_120] : memref<10000x128xf32, #tpu.memory_space<vmem_shared>> -> memref<80x128xf32, #tpu.memory_space<vmem_shared>>
      %dma_wait3A_122 = arith.constant 0 : i32
      %dma_wait3A_123 = arith.constant 0 : i32
      %dma_wait3A_124 = tpu.memref_slice %arg8[%run_scoped3A_35, %dma_wait3A_122, %dma_wait3A_123] : memref<3x80x128xf32, #tpu.memory_space<vmem>> -> memref<1x80x128xf32, #tpu.memory_space<vmem>>
      %dma_wait3A_125 = tpu.memref_squeeze %dma_wait3A_124 : memref<1x80x128xf32, #tpu.memory_space<vmem>> -> memref<80x128xf32, #tpu.memory_space<vmem>>
      tpu.wait_dma2 semaphore(%run_scoped3A_101 : memref<!tpu.dma_semaphore, #tpu.memory_space<semaphore_mem>>) src(%dma_wait3A_125 : memref<80x128xf32, #tpu.memory_space<vmem>>) dst(%dma_wait3A_121 : memref<80x128xf32, #tpu.memory_space<vmem_shared>>)
      tpu.yield
    }) : () -> ()
    %mul3A_36 = arith.constant 625 : i32
    %mul3A_37 = arith.muli %arg1, %mul3A_36 : i32
    %add3A_38 = arith.constant 480 : i32
    %add3A_39 = arith.addi %mul3A_37, %add3A_38 : i32
    %run_scoped3A_40 = arith.constant 0 : i32
    "tpu.region"() ({
      %run_scoped3A_101 = tpu.sem_alloc : memref<!tpu.dma_semaphore, #tpu.memory_space<semaphore_mem>>
      %dma_start3A_102 = arith.constant 0 : i32
      %dma_start3A_103 = arith.constant 0 : i32
      %dma_start3A_104 = tpu.memref_slice %arg8[%run_scoped3A_40, %dma_start3A_102, %dma_start3A_103] : memref<3x80x128xf32, #tpu.memory_space<vmem>> -> memref<1x80x128xf32, #tpu.memory_space<vmem>>
      %dma_start3A_105 = tpu.memref_squeeze %dma_start3A_104 : memref<1x80x128xf32, #tpu.memory_space<vmem>> -> memref<80x128xf32, #tpu.memory_space<vmem>>
      %dma_start3A_106 = arith.constant 0 : i32
      %dma_start3A_107 = tpu.memref_slice %arg9[%add3A_39, %dma_start3A_106] : memref<10000x128xf32, #tpu.memory_space<vmem_shared>> -> memref<80x128xf32, #tpu.memory_space<vmem_shared>>
      %dma_start3A_108 = arith.constant 0 : i32
      %dma_start3A_109 = tpu.memref_slice %arg9[%add3A_39, %dma_start3A_108] : memref<10000x128xf32, #tpu.memory_space<vmem_shared>> -> memref<80x128xf32, #tpu.memory_space<vmem_shared>>
      %dma_start3A_110 = arith.constant 0 : i32
      %dma_start3A_111 = arith.constant 0 : i32
      %dma_start3A_112 = tpu.memref_slice %arg8[%run_scoped3A_40, %dma_start3A_110, %dma_start3A_111] : memref<3x80x128xf32, #tpu.memory_space<vmem>> -> memref<1x80x128xf32, #tpu.memory_space<vmem>>
      %dma_start3A_113 = tpu.memref_squeeze %dma_start3A_112 : memref<1x80x128xf32, #tpu.memory_space<vmem>> -> memref<80x128xf32, #tpu.memory_space<vmem>>
      tpu.enqueue_dma source(%dma_start3A_113 : memref<80x128xf32, #tpu.memory_space<vmem>>) target(%dma_start3A_109 : memref<80x128xf32, #tpu.memory_space<vmem_shared>>) target_semaphore(%run_scoped3A_101 : memref<!tpu.dma_semaphore, #tpu.memory_space<semaphore_mem>>)
      %dma_wait3A_114 = arith.constant 0 : i32
      %dma_wait3A_115 = arith.constant 0 : i32
      %dma_wait3A_116 = tpu.memref_slice %arg8[%run_scoped3A_40, %dma_wait3A_114, %dma_wait3A_115] : memref<3x80x128xf32, #tpu.memory_space<vmem>> -> memref<1x80x128xf32, #tpu.memory_space<vmem>>
      %dma_wait3A_117 = tpu.memref_squeeze %dma_wait3A_116 : memref<1x80x128xf32, #tpu.memory_space<vmem>> -> memref<80x128xf32, #tpu.memory_space<vmem>>
      %dma_wait3A_118 = arith.constant 0 : i32
      %dma_wait3A_119 = tpu.memref_slice %arg9[%add3A_39, %dma_wait3A_118] : memref<10000x128xf32, #tpu.memory_space<vmem_shared>> -> memref<80x128xf32, #tpu.memory_space<vmem_shared>>
      %dma_wait3A_120 = arith.constant 0 : i32
      %dma_wait3A_121 = tpu.memref_slice %arg9[%add3A_39, %dma_wait3A_120] : memref<10000x128xf32, #tpu.memory_space<vmem_shared>> -> memref<80x128xf32, #tpu.memory_space<vmem_shared>>
      %dma_wait3A_122 = arith.constant 0 : i32
      %dma_wait3A_123 = arith.constant 0 : i32
      %dma_wait3A_124 = tpu.memref_slice %arg8[%run_scoped3A_40, %dma_wait3A_122, %dma_wait3A_123] : memref<3x80x128xf32, #tpu.memory_space<vmem>> -> memref<1x80x128xf32, #tpu.memory_space<vmem>>
      %dma_wait3A_125 = tpu.memref_squeeze %dma_wait3A_124 : memref<1x80x128xf32, #tpu.memory_space<vmem>> -> memref<80x128xf32, #tpu.memory_space<vmem>>
      tpu.wait_dma2 semaphore(%run_scoped3A_101 : memref<!tpu.dma_semaphore, #tpu.memory_space<semaphore_mem>>) src(%dma_wait3A_125 : memref<80x128xf32, #tpu.memory_space<vmem>>) dst(%dma_wait3A_121 : memref<80x128xf32, #tpu.memory_space<vmem_shared>>)
      tpu.yield
    }) : () -> ()
    %mul3A_41 = arith.constant 625 : i32
    %mul3A_42 = arith.muli %arg1, %mul3A_41 : i32
    %add3A_43 = arith.constant 560 : i32
    %add3A_44 = arith.addi %mul3A_42, %add3A_43 : i32
    %run_scoped3A_45 = arith.constant 0 : i32
    "tpu.region"() ({
      %run_scoped3A_101 = tpu.sem_alloc : memref<!tpu.dma_semaphore, #tpu.memory_space<semaphore_mem>>
      %dma_start3A_102 = arith.constant 0 : i32
      %dma_start3A_103 = arith.constant 0 : i32
      %dma_start3A_104 = tpu.memref_slice %arg8[%run_scoped3A_45, %dma_start3A_102, %dma_start3A_103] : memref<3x80x128xf32, #tpu.memory_space<vmem>> -> memref<1x65x128xf32, #tpu.memory_space<vmem>>
      %dma_start3A_105 = tpu.memref_squeeze %dma_start3A_104 : memref<1x65x128xf32, #tpu.memory_space<vmem>> -> memref<65x128xf32, #tpu.memory_space<vmem>>
      %dma_start3A_106 = arith.constant 0 : i32
      %dma_start3A_107 = tpu.memref_slice %arg9[%add3A_44, %dma_start3A_106] : memref<10000x128xf32, #tpu.memory_space<vmem_shared>> -> memref<65x128xf32, #tpu.memory_space<vmem_shared>>
      %dma_start3A_108 = arith.constant 0 : i32
      %dma_start3A_109 = tpu.memref_slice %arg9[%add3A_44, %dma_start3A_108] : memref<10000x128xf32, #tpu.memory_space<vmem_shared>> -> memref<65x128xf32, #tpu.memory_space<vmem_shared>>
      %dma_start3A_110 = arith.constant 0 : i32
      %dma_start3A_111 = arith.constant 0 : i32
      %dma_start3A_112 = tpu.memref_slice %arg8[%run_scoped3A_45, %dma_start3A_110, %dma_start3A_111] : memref<3x80x128xf32, #tpu.memory_space<vmem>> -> memref<1x65x128xf32, #tpu.memory_space<vmem>>
      %dma_start3A_113 = tpu.memref_squeeze %dma_start3A_112 : memref<1x65x128xf32, #tpu.memory_space<vmem>> -> memref<65x128xf32, #tpu.memory_space<vmem>>
      tpu.enqueue_dma source(%dma_start3A_113 : memref<65x128xf32, #tpu.memory_space<vmem>>) target(%dma_start3A_109 : memref<65x128xf32, #tpu.memory_space<vmem_shared>>) target_semaphore(%run_scoped3A_101 : memref<!tpu.dma_semaphore, #tpu.memory_space<semaphore_mem>>)
      %dma_wait3A_114 = arith.constant 0 : i32
      %dma_wait3A_115 = arith.constant 0 : i32
      %dma_wait3A_116 = tpu.memref_slice %arg8[%run_scoped3A_45, %dma_wait3A_114, %dma_wait3A_115] : memref<3x80x128xf32, #tpu.memory_space<vmem>> -> memref<1x65x128xf32, #tpu.memory_space<vmem>>
      %dma_wait3A_117 = tpu.memref_squeeze %dma_wait3A_116 : memref<1x65x128xf32, #tpu.memory_space<vmem>> -> memref<65x128xf32, #tpu.memory_space<vmem>>
      %dma_wait3A_118 = arith.constant 0 : i32
      %dma_wait3A_119 = tpu.memref_slice %arg9[%add3A_44, %dma_wait3A_118] : memref<10000x128xf32, #tpu.memory_space<vmem_shared>> -> memref<65x128xf32, #tpu.memory_space<vmem_shared>>
      %dma_wait3A_120 = arith.constant 0 : i32
      %dma_wait3A_121 = tpu.memref_slice %arg9[%add3A_44, %dma_wait3A_120] : memref<10000x128xf32, #tpu.memory_space<vmem_shared>> -> memref<65x128xf32, #tpu.memory_space<vmem_shared>>
      %dma_wait3A_122 = arith.constant 0 : i32
      %dma_wait3A_123 = arith.constant 0 : i32
      %dma_wait3A_124 = tpu.memref_slice %arg8[%run_scoped3A_45, %dma_wait3A_122, %dma_wait3A_123] : memref<3x80x128xf32, #tpu.memory_space<vmem>> -> memref<1x65x128xf32, #tpu.memory_space<vmem>>
      %dma_wait3A_125 = tpu.memref_squeeze %dma_wait3A_124 : memref<1x65x128xf32, #tpu.memory_space<vmem>> -> memref<65x128xf32, #tpu.memory_space<vmem>>
      tpu.wait_dma2 semaphore(%run_scoped3A_101 : memref<!tpu.dma_semaphore, #tpu.memory_space<semaphore_mem>>) src(%dma_wait3A_125 : memref<65x128xf32, #tpu.memory_space<vmem>>) dst(%dma_wait3A_121 : memref<65x128xf32, #tpu.memory_space<vmem_shared>>)
      tpu.yield
    }) : () -> ()
    %barrier3A = arith.constant 0 : index
    tpu.barrier barrier_id(%barrier3A)
    "tpu.region"() ({
      %run_scoped3A_101 = tpu.sem_alloc : memref<!tpu.dma_semaphore, #tpu.memory_space<semaphore_mem>>
      %dma_start3A_102 = arith.constant 0 : i32
      %dma_start3A_103 = arith.constant 0 : i32
      %dma_start3A_104 = tpu.memref_slice %arg3[%add3A, %dma_start3A_102, %dma_start3A_103] : memref<32x125x80xi32, #tpu.memory_space<hbm>> -> memref<1x125x80xi32, #tpu.memory_space<hbm>>
      %dma_start3A_105 = tpu.memref_squeeze %dma_start3A_104 : memref<1x125x80xi32, #tpu.memory_space<hbm>> -> memref<125x80xi32, #tpu.memory_space<hbm>>
      %dma_start3A_106 = arith.constant 0 : i32
      %dma_start3A_107 = arith.constant 0 : i32
      %dma_start3A_108 = tpu.memref_slice %arg3[%add3A, %dma_start3A_106, %dma_start3A_107] : memref<32x125x80xi32, #tpu.memory_space<hbm>> -> memref<1x125x80xi32, #tpu.memory_space<hbm>>
      %dma_start3A_109 = tpu.memref_squeeze %dma_start3A_108 : memref<1x125x80xi32, #tpu.memory_space<hbm>> -> memref<125x80xi32, #tpu.memory_space<hbm>>
      tpu.enqueue_dma source(%dma_start3A_109 : memref<125x80xi32, #tpu.memory_space<hbm>>) target(%arg6 : memref<125x80xi32, #tpu.memory_space<vmem>>) target_semaphore(%run_scoped3A_101 : memref<!tpu.dma_semaphore, #tpu.memory_space<semaphore_mem>>)
      %dma_wait3A_110 = arith.constant 0 : i32
      %dma_wait3A_111 = arith.constant 0 : i32
      %dma_wait3A_112 = tpu.memref_slice %arg3[%add3A, %dma_wait3A_110, %dma_wait3A_111] : memref<32x125x80xi32, #tpu.memory_space<hbm>> -> memref<1x125x80xi32, #tpu.memory_space<hbm>>
      %dma_wait3A_113 = tpu.memref_squeeze %dma_wait3A_112 : memref<1x125x80xi32, #tpu.memory_space<hbm>> -> memref<125x80xi32, #tpu.memory_space<hbm>>
      %dma_wait3A_114 = arith.constant 0 : i32
      %dma_wait3A_115 = arith.constant 0 : i32
      %dma_wait3A_116 = tpu.memref_slice %arg3[%add3A, %dma_wait3A_114, %dma_wait3A_115] : memref<32x125x80xi32, #tpu.memory_space<hbm>> -> memref<1x125x80xi32, #tpu.memory_space<hbm>>
      %dma_wait3A_117 = tpu.memref_squeeze %dma_wait3A_116 : memref<1x125x80xi32, #tpu.memory_space<hbm>> -> memref<125x80xi32, #tpu.memory_space<hbm>>
      tpu.wait_dma2 semaphore(%run_scoped3A_101 : memref<!tpu.dma_semaphore, #tpu.memory_space<semaphore_mem>>) src(%dma_wait3A_117 : memref<125x80xi32, #tpu.memory_space<hbm>>) dst(%arg6 : memref<125x80xi32, #tpu.memory_space<vmem>>)
      tpu.yield
    }) : () -> ()
    "tpu.region"() ({
      %run_scoped3A_101 = tpu.sem_alloc : memref<!tpu.dma_semaphore, #tpu.memory_space<semaphore_mem>>
      %dma_start3A_102 = arith.constant 0 : i32
      %dma_start3A_103 = arith.constant 0 : i32
      %dma_start3A_104 = tpu.memref_slice %arg4[%add3A, %dma_start3A_102, %dma_start3A_103] : memref<32x125x80xi32, #tpu.memory_space<hbm>> -> memref<1x125x80xi32, #tpu.memory_space<hbm>>
      %dma_start3A_105 = tpu.memref_squeeze %dma_start3A_104 : memref<1x125x80xi32, #tpu.memory_space<hbm>> -> memref<125x80xi32, #tpu.memory_space<hbm>>
      %dma_start3A_106 = arith.constant 0 : i32
      %dma_start3A_107 = arith.constant 0 : i32
      %dma_start3A_108 = tpu.memref_slice %arg4[%add3A, %dma_start3A_106, %dma_start3A_107] : memref<32x125x80xi32, #tpu.memory_space<hbm>> -> memref<1x125x80xi32, #tpu.memory_space<hbm>>
      %dma_start3A_109 = tpu.memref_squeeze %dma_start3A_108 : memref<1x125x80xi32, #tpu.memory_space<hbm>> -> memref<125x80xi32, #tpu.memory_space<hbm>>
      tpu.enqueue_dma source(%dma_start3A_109 : memref<125x80xi32, #tpu.memory_space<hbm>>) target(%arg7 : memref<125x80xi32, #tpu.memory_space<vmem>>) target_semaphore(%run_scoped3A_101 : memref<!tpu.dma_semaphore, #tpu.memory_space<semaphore_mem>>)
      %dma_wait3A_110 = arith.constant 0 : i32
      %dma_wait3A_111 = arith.constant 0 : i32
      %dma_wait3A_112 = tpu.memref_slice %arg4[%add3A, %dma_wait3A_110, %dma_wait3A_111] : memref<32x125x80xi32, #tpu.memory_space<hbm>> -> memref<1x125x80xi32, #tpu.memory_space<hbm>>
      %dma_wait3A_113 = tpu.memref_squeeze %dma_wait3A_112 : memref<1x125x80xi32, #tpu.memory_space<hbm>> -> memref<125x80xi32, #tpu.memory_space<hbm>>
      %dma_wait3A_114 = arith.constant 0 : i32
      %dma_wait3A_115 = arith.constant 0 : i32
      %dma_wait3A_116 = tpu.memref_slice %arg4[%add3A, %dma_wait3A_114, %dma_wait3A_115] : memref<32x125x80xi32, #tpu.memory_space<hbm>> -> memref<1x125x80xi32, #tpu.memory_space<hbm>>
      %dma_wait3A_117 = tpu.memref_squeeze %dma_wait3A_116 : memref<1x125x80xi32, #tpu.memory_space<hbm>> -> memref<125x80xi32, #tpu.memory_space<hbm>>
      tpu.wait_dma2 semaphore(%run_scoped3A_101 : memref<!tpu.dma_semaphore, #tpu.memory_space<semaphore_mem>>) src(%dma_wait3A_117 : memref<125x80xi32, #tpu.memory_space<hbm>>) dst(%arg7 : memref<125x80xi32, #tpu.memory_space<vmem>>)
      tpu.yield
    }) : () -> ()
    %dma_start3A = arith.constant 0 : i32
    %dma_start3A_46 = arith.constant 0 : i32
    %dma_start3A_47 = arith.constant 0 : i32
    %dma_start3A_48 = arith.constant 0 : i32
    %dma_start3A_49 = arith.constant 0 : i32
    %dma_start3A_50 = tpu.memref_slice %arg8[%dma_start3A_46, %dma_start3A_48, %dma_start3A_49] : memref<3x80x128xf32, #tpu.memory_space<vmem>> -> memref<1x80x128xf32, #tpu.memory_space<vmem>>
    %dma_start3A_51 = tpu.memref_squeeze %dma_start3A_50 : memref<1x80x128xf32, #tpu.memory_space<vmem>> -> memref<80x128xf32, #tpu.memory_space<vmem>>
    %dma_start3A_52 = arith.constant 0 : i32
    %dma_start3A_53 = tpu.memref_slice %arg6[%dma_start3A, %dma_start3A_52] : memref<125x80xi32, #tpu.memory_space<vmem>> -> memref<1x80xi32, #tpu.memory_space<vmem>>
    %dma_start3A_54 = tpu.memref_squeeze %dma_start3A_53 : memref<1x80xi32, #tpu.memory_space<vmem>> -> memref<80xi32, #tpu.memory_space<vmem>>
    %dma_start3A_55 = arith.constant 0 : i32
    %dma_start3A_56 = arith.constant 0 : i32
    %dma_start3A_57 = tpu.memref_slice %arg2[%dma_start3A_55, %dma_start3A_56] : memref<10000x128xf32, #tpu.memory_space<hbm>> -> memref<10000x128xf32, #tpu.memory_space<hbm>>
    %dma_start3A_58 = tpu.memref_slice %arg10[%dma_start3A_47] : memref<3x!tpu.dma_semaphore, #tpu.memory_space<semaphore_mem>> -> memref<1x!tpu.dma_semaphore, #tpu.memory_space<semaphore_mem>>
    %dma_start3A_59 = tpu.memref_squeeze %dma_start3A_58 : memref<1x!tpu.dma_semaphore, #tpu.memory_space<semaphore_mem>> -> memref<!tpu.dma_semaphore, #tpu.memory_space<semaphore_mem>>
    tpu.enqueue_indirect_dma source(%dma_start3A_57 : memref<10000x128xf32, #tpu.memory_space<hbm>>) target(%dma_start3A_51 : memref<80x128xf32, #tpu.memory_space<vmem>>) offsets(%dma_start3A_54 : memref<80xi32, #tpu.memory_space<vmem>>) semaphore(%dma_start3A_59 : memref<!tpu.dma_semaphore, #tpu.memory_space<semaphore_mem>>)
    %dma_start3A_60 = arith.constant 1 : i32
    %dma_start3A_61 = arith.constant 1 : i32
    %dma_start3A_62 = arith.constant 1 : i32
    %dma_start3A_63 = arith.constant 0 : i32
    %dma_start3A_64 = arith.constant 0 : i32
    %dma_start3A_65 = tpu.memref_slice %arg8[%dma_start3A_61, %dma_start3A_63, %dma_start3A_64] : memref<3x80x128xf32, #tpu.memory_space<vmem>> -> memref<1x80x128xf32, #tpu.memory_space<vmem>>
    %dma_start3A_66 = tpu.memref_squeeze %dma_start3A_65 : memref<1x80x128xf32, #tpu.memory_space<vmem>> -> memref<80x128xf32, #tpu.memory_space<vmem>>
    %dma_start3A_67 = arith.constant 0 : i32
    %dma_start3A_68 = tpu.memref_slice %arg6[%dma_start3A_60, %dma_start3A_67] : memref<125x80xi32, #tpu.memory_space<vmem>> -> memref<1x80xi32, #tpu.memory_space<vmem>>
    %dma_start3A_69 = tpu.memref_squeeze %dma_start3A_68 : memref<1x80xi32, #tpu.memory_space<vmem>> -> memref<80xi32, #tpu.memory_space<vmem>>
    %dma_start3A_70 = arith.constant 0 : i32
    %dma_start3A_71 = arith.constant 0 : i32
    %dma_start3A_72 = tpu.memref_slice %arg2[%dma_start3A_70, %dma_start3A_71] : memref<10000x128xf32, #tpu.memory_space<hbm>> -> memref<10000x128xf32, #tpu.memory_space<hbm>>
    %dma_start3A_73 = tpu.memref_slice %arg10[%dma_start3A_62] : memref<3x!tpu.dma_semaphore, #tpu.memory_space<semaphore_mem>> -> memref<1x!tpu.dma_semaphore, #tpu.memory_space<semaphore_mem>>
    %dma_start3A_74 = tpu.memref_squeeze %dma_start3A_73 : memref<1x!tpu.dma_semaphore, #tpu.memory_space<semaphore_mem>> -> memref<!tpu.dma_semaphore, #tpu.memory_space<semaphore_mem>>
    tpu.enqueue_indirect_dma source(%dma_start3A_72 : memref<10000x128xf32, #tpu.memory_space<hbm>>) target(%dma_start3A_66 : memref<80x128xf32, #tpu.memory_space<vmem>>) offsets(%dma_start3A_69 : memref<80xi32, #tpu.memory_space<vmem>>) semaphore(%dma_start3A_74 : memref<!tpu.dma_semaphore, #tpu.memory_space<semaphore_mem>>)
    %scan3A_75 = arith.constant 0 : i32
    %scan3A_76 = arith.constant 0 : i32
    %scan3A_77 = arith.constant 125 : i32
    %scan3A_78 = arith.addi %scan3A_76, %scan3A_77 : i32
    %scan3A_79 = arith.constant 1 : i32
    %scan3A_80 = scf.for %scan3A_101 = %scan3A_76 to %scan3A_78 step %scan3A_79 iter_args(%scan3A_102 = %scan3A_75) -> (i32)  : i32 {
      %rem3A = arith.constant 3 : i32
      %rem3A_103 = arith.remsi %scan3A_101, %rem3A : i32
      %add3A_104 = arith.constant 2 : i32
      %add3A_105 = arith.addi %scan3A_101, %add3A_104 : i32
      %rem3A_106 = arith.constant 3 : i32
      %rem3A_107 = arith.remsi %add3A_105, %rem3A_106 : i32
      %ge3A = arith.constant 1 : i32
      %ge3A_108 = arith.cmpi sge, %scan3A_101, %ge3A : i32
      %convert_element_type3A = arith.extui %ge3A_108 : i1 to i32
      %cond3A = arith.constant 0 : i32
      %cond3A_109 = arith.cmpi ne, %convert_element_type3A, %cond3A : i32
      scf.if %cond3A_109 {
        %sub3A = arith.constant 1 : i32
        %sub3A_141 = arith.subi %scan3A_101, %sub3A : i32
        %dma_wait3A_142 = arith.constant 0 : i32
        %dma_wait3A_143 = arith.constant 0 : i32
        %dma_wait3A_144 = tpu.memref_slice %arg8[%rem3A_107, %dma_wait3A_142, %dma_wait3A_143] : memref<3x80x128xf32, #tpu.memory_space<vmem>> -> memref<1x80x128xf32, #tpu.memory_space<vmem>>
        %dma_wait3A_145 = tpu.memref_squeeze %dma_wait3A_144 : memref<1x80x128xf32, #tpu.memory_space<vmem>> -> memref<80x128xf32, #tpu.memory_space<vmem>>
        %dma_wait3A_146 = arith.constant 0 : i32
        %dma_wait3A_147 = tpu.memref_slice %arg7[%sub3A_141, %dma_wait3A_146] : memref<125x80xi32, #tpu.memory_space<vmem>> -> memref<1x80xi32, #tpu.memory_space<vmem>>
        %dma_wait3A_148 = tpu.memref_squeeze %dma_wait3A_147 : memref<1x80xi32, #tpu.memory_space<vmem>> -> memref<80xi32, #tpu.memory_space<vmem>>
        %dma_wait3A_149 = arith.constant 0 : i32
        %dma_wait3A_150 = arith.constant 0 : i32
        %dma_wait3A_151 = tpu.memref_slice %arg9[%dma_wait3A_149, %dma_wait3A_150] : memref<10000x128xf32, #tpu.memory_space<vmem_shared>> -> memref<10000x128xf32, #tpu.memory_space<vmem_shared>>
        %dma_wait3A_152 = tpu.memref_slice %arg11[%rem3A_107] : memref<3x!tpu.dma_semaphore, #tpu.memory_space<semaphore_mem>> -> memref<1x!tpu.dma_semaphore, #tpu.memory_space<semaphore_mem>>
        %dma_wait3A_153 = tpu.memref_squeeze %dma_wait3A_152 : memref<1x!tpu.dma_semaphore, #tpu.memory_space<semaphore_mem>> -> memref<!tpu.dma_semaphore, #tpu.memory_space<semaphore_mem>>
        tpu.wait_indirect_dma semaphore(%dma_wait3A_153 : memref<!tpu.dma_semaphore, #tpu.memory_space<semaphore_mem>>) src(%dma_wait3A_145 : memref<80x128xf32, #tpu.memory_space<vmem>>) dst(%dma_wait3A_151 : memref<10000x128xf32, #tpu.memory_space<vmem_shared>>)
      } else {
      }
      %add3A_110 = arith.constant 2 : i32
      %add3A_111 = arith.addi %scan3A_101, %add3A_110 : i32
      %lt3A = arith.constant 125 : i32
      %lt3A_112 = arith.cmpi slt, %add3A_111, %lt3A : i32
      %convert_element_type3A_113 = arith.extui %lt3A_112 : i1 to i32
      %cond3A_114 = arith.constant 0 : i32
      %cond3A_115 = arith.cmpi ne, %convert_element_type3A_113, %cond3A_114 : i32
      scf.if %cond3A_115 {
        %add3A_141 = arith.constant 2 : i32
        %add3A_142 = arith.addi %scan3A_101, %add3A_141 : i32
        %dma_start3A_143 = arith.constant 0 : i32
        %dma_start3A_144 = arith.constant 0 : i32
        %dma_start3A_145 = tpu.memref_slice %arg8[%rem3A_107, %dma_start3A_143, %dma_start3A_144] : memref<3x80x128xf32, #tpu.memory_space<vmem>> -> memref<1x80x128xf32, #tpu.memory_space<vmem>>
        %dma_start3A_146 = tpu.memref_squeeze %dma_start3A_145 : memref<1x80x128xf32, #tpu.memory_space<vmem>> -> memref<80x128xf32, #tpu.memory_space<vmem>>
        %dma_start3A_147 = arith.constant 0 : i32
        %dma_start3A_148 = tpu.memref_slice %arg6[%add3A_142, %dma_start3A_147] : memref<125x80xi32, #tpu.memory_space<vmem>> -> memref<1x80xi32, #tpu.memory_space<vmem>>
        %dma_start3A_149 = tpu.memref_squeeze %dma_start3A_148 : memref<1x80xi32, #tpu.memory_space<vmem>> -> memref<80xi32, #tpu.memory_space<vmem>>
        %dma_start3A_150 = arith.constant 0 : i32
        %dma_start3A_151 = arith.constant 0 : i32
        %dma_start3A_152 = tpu.memref_slice %arg2[%dma_start3A_150, %dma_start3A_151] : memref<10000x128xf32, #tpu.memory_space<hbm>> -> memref<10000x128xf32, #tpu.memory_space<hbm>>
        %dma_start3A_153 = tpu.memref_slice %arg10[%rem3A_107] : memref<3x!tpu.dma_semaphore, #tpu.memory_space<semaphore_mem>> -> memref<1x!tpu.dma_semaphore, #tpu.memory_space<semaphore_mem>>
        %dma_start3A_154 = tpu.memref_squeeze %dma_start3A_153 : memref<1x!tpu.dma_semaphore, #tpu.memory_space<semaphore_mem>> -> memref<!tpu.dma_semaphore, #tpu.memory_space<semaphore_mem>>
        tpu.enqueue_indirect_dma source(%dma_start3A_152 : memref<10000x128xf32, #tpu.memory_space<hbm>>) target(%dma_start3A_146 : memref<80x128xf32, #tpu.memory_space<vmem>>) offsets(%dma_start3A_149 : memref<80xi32, #tpu.memory_space<vmem>>) semaphore(%dma_start3A_154 : memref<!tpu.dma_semaphore, #tpu.memory_space<semaphore_mem>>)
      } else {
      }
      %dma_wait3A_116 = arith.constant 0 : i32
      %dma_wait3A_117 = arith.constant 0 : i32
      %dma_wait3A_118 = tpu.memref_slice %arg8[%rem3A_103, %dma_wait3A_116, %dma_wait3A_117] : memref<3x80x128xf32, #tpu.memory_space<vmem>> -> memref<1x80x128xf32, #tpu.memory_space<vmem>>
      %dma_wait3A_119 = tpu.memref_squeeze %dma_wait3A_118 : memref<1x80x128xf32, #tpu.memory_space<vmem>> -> memref<80x128xf32, #tpu.memory_space<vmem>>
      %dma_wait3A_120 = arith.constant 0 : i32
      %dma_wait3A_121 = tpu.memref_slice %arg6[%scan3A_101, %dma_wait3A_120] : memref<125x80xi32, #tpu.memory_space<vmem>> -> memref<1x80xi32, #tpu.memory_space<vmem>>
      %dma_wait3A_122 = tpu.memref_squeeze %dma_wait3A_121 : memref<1x80xi32, #tpu.memory_space<vmem>> -> memref<80xi32, #tpu.memory_space<vmem>>
      %dma_wait3A_123 = arith.constant 0 : i32
      %dma_wait3A_124 = arith.constant 0 : i32
      %dma_wait3A_125 = tpu.memref_slice %arg2[%dma_wait3A_123, %dma_wait3A_124] : memref<10000x128xf32, #tpu.memory_space<hbm>> -> memref<10000x128xf32, #tpu.memory_space<hbm>>
      %dma_wait3A_126 = tpu.memref_slice %arg10[%rem3A_103] : memref<3x!tpu.dma_semaphore, #tpu.memory_space<semaphore_mem>> -> memref<1x!tpu.dma_semaphore, #tpu.memory_space<semaphore_mem>>
      %dma_wait3A_127 = tpu.memref_squeeze %dma_wait3A_126 : memref<1x!tpu.dma_semaphore, #tpu.memory_space<semaphore_mem>> -> memref<!tpu.dma_semaphore, #tpu.memory_space<semaphore_mem>>
      tpu.wait_indirect_dma semaphore(%dma_wait3A_127 : memref<!tpu.dma_semaphore, #tpu.memory_space<semaphore_mem>>) src(%dma_wait3A_125 : memref<10000x128xf32, #tpu.memory_space<hbm>>) dst(%dma_wait3A_119 : memref<80x128xf32, #tpu.memory_space<vmem>>)
      %dma_start3A_128 = arith.constant 0 : i32
      %dma_start3A_129 = arith.constant 0 : i32
      %dma_start3A_130 = tpu.memref_slice %arg8[%rem3A_103, %dma_start3A_128, %dma_start3A_129] : memref<3x80x128xf32, #tpu.memory_space<vmem>> -> memref<1x80x128xf32, #tpu.memory_space<vmem>>
      %dma_start3A_131 = tpu.memref_squeeze %dma_start3A_130 : memref<1x80x128xf32, #tpu.memory_space<vmem>> -> memref<80x128xf32, #tpu.memory_space<vmem>>
      %dma_start3A_132 = arith.constant 0 : i32
      %dma_start3A_133 = tpu.memref_slice %arg7[%scan3A_101, %dma_start3A_132] : memref<125x80xi32, #tpu.memory_space<vmem>> -> memref<1x80xi32, #tpu.memory_space<vmem>>
      %dma_start3A_134 = tpu.memref_squeeze %dma_start3A_133 : memref<1x80xi32, #tpu.memory_space<vmem>> -> memref<80xi32, #tpu.memory_space<vmem>>
      %dma_start3A_135 = arith.constant 0 : i32
      %dma_start3A_136 = arith.constant 0 : i32
      %dma_start3A_137 = tpu.memref_slice %arg9[%dma_start3A_135, %dma_start3A_136] : memref<10000x128xf32, #tpu.memory_space<vmem_shared>> -> memref<10000x128xf32, #tpu.memory_space<vmem_shared>>
      %dma_start3A_138 = tpu.memref_slice %arg11[%rem3A_103] : memref<3x!tpu.dma_semaphore, #tpu.memory_space<semaphore_mem>> -> memref<1x!tpu.dma_semaphore, #tpu.memory_space<semaphore_mem>>
      %dma_start3A_139 = tpu.memref_squeeze %dma_start3A_138 : memref<1x!tpu.dma_semaphore, #tpu.memory_space<semaphore_mem>> -> memref<!tpu.dma_semaphore, #tpu.memory_space<semaphore_mem>>
      tpu.enqueue_indirect_dma source(%dma_start3A_131 : memref<80x128xf32, #tpu.memory_space<vmem>>) target(%dma_start3A_137 : memref<10000x128xf32, #tpu.memory_space<vmem_shared>>) offsets(%dma_start3A_134 : memref<80xi32, #tpu.memory_space<vmem>>) semaphore(%dma_start3A_139 : memref<!tpu.dma_semaphore, #tpu.memory_space<semaphore_mem>>) {add = true}
      %scan3A_140 = arith.constant 0 : i32
      scf.yield %scan3A_140 : i32
    }
    %scan3A_81 = arith.constant 125 : i32
    %dma_wait3A = arith.constant 1 : i32
    %dma_wait3A_82 = arith.constant 124 : i32
    %dma_wait3A_83 = arith.constant 1 : i32
    %dma_wait3A_84 = arith.constant 0 : i32
    %dma_wait3A_85 = arith.constant 0 : i32
    %dma_wait3A_86 = tpu.memref_slice %arg8[%dma_wait3A, %dma_wait3A_84, %dma_wait3A_85] : memref<3x80x128xf32, #tpu.memory_space<vmem>> -> memref<1x80x128xf32, #tpu.memory_space<vmem>>
    %dma_wait3A_87 = tpu.memref_squeeze %dma_wait3A_86 : memref<1x80x128xf32, #tpu.memory_space<vmem>> -> memref<80x128xf32, #tpu.memory_space<vmem>>
    %dma_wait3A_88 = arith.constant 0 : i32
    %dma_wait3A_89 = tpu.memref_slice %arg7[%dma_wait3A_82, %dma_wait3A_88] : memref<125x80xi32, #tpu.memory_space<vmem>> -> memref<1x80xi32, #tpu.memory_space<vmem>>
    %dma_wait3A_90 = tpu.memref_squeeze %dma_wait3A_89 : memref<1x80xi32, #tpu.memory_space<vmem>> -> memref<80xi32, #tpu.memory_space<vmem>>
    %dma_wait3A_91 = arith.constant 0 : i32
    %dma_wait3A_92 = arith.constant 0 : i32
    %dma_wait3A_93 = tpu.memref_slice %arg9[%dma_wait3A_91, %dma_wait3A_92] : memref<10000x128xf32, #tpu.memory_space<vmem_shared>> -> memref<10000x128xf32, #tpu.memory_space<vmem_shared>>
    %dma_wait3A_94 = tpu.memref_slice %arg11[%dma_wait3A_83] : memref<3x!tpu.dma_semaphore, #tpu.memory_space<semaphore_mem>> -> memref<1x!tpu.dma_semaphore, #tpu.memory_space<semaphore_mem>>
    %dma_wait3A_95 = tpu.memref_squeeze %dma_wait3A_94 : memref<1x!tpu.dma_semaphore, #tpu.memory_space<semaphore_mem>> -> memref<!tpu.dma_semaphore, #tpu.memory_space<semaphore_mem>>
    tpu.wait_indirect_dma semaphore(%dma_wait3A_95 : memref<!tpu.dma_semaphore, #tpu.memory_space<semaphore_mem>>) src(%dma_wait3A_87 : memref<80x128xf32, #tpu.memory_space<vmem>>) dst(%dma_wait3A_93 : memref<10000x128xf32, #tpu.memory_space<vmem_shared>>)
    %barrier3A_96 = arith.constant 0 : index
    tpu.barrier barrier_id(%barrier3A_96)
    %mul3A_97 = arith.constant 625 : i32
    %mul3A_98 = arith.muli %arg1, %mul3A_97 : i32
    %mul3A_99 = arith.constant 625 : i32
    %mul3A_100 = arith.muli %arg1, %mul3A_99 : i32
    "tpu.region"() ({
      %run_scoped3A_101 = tpu.sem_alloc : memref<!tpu.dma_semaphore, #tpu.memory_space<semaphore_mem>>
      %dma_start3A_102 = arith.constant 0 : i32
      %dma_start3A_103 = tpu.memref_slice %arg5[%arg0, %mul3A_100, %dma_start3A_102] : memref<2x10000x128xf32, #tpu.memory_space<hbm>> -> memref<1x625x128xf32, #tpu.memory_space<hbm>>
      %dma_start3A_104 = tpu.memref_squeeze %dma_start3A_103 : memref<1x625x128xf32, #tpu.memory_space<hbm>> -> memref<625x128xf32, #tpu.memory_space<hbm>>
      %dma_start3A_105 = arith.constant 0 : i32
      %dma_start3A_106 = tpu.memref_slice %arg9[%mul3A_98, %dma_start3A_105] : memref<10000x128xf32, #tpu.memory_space<vmem_shared>> -> memref<625x128xf32, #tpu.memory_space<vmem_shared>>
      tpu.enqueue_dma source(%dma_start3A_106 : memref<625x128xf32, #tpu.memory_space<vmem_shared>>) target(%dma_start3A_104 : memref<625x128xf32, #tpu.memory_space<hbm>>) target_semaphore(%run_scoped3A_101 : memref<!tpu.dma_semaphore, #tpu.memory_space<semaphore_mem>>)
      %dma_wait3A_107 = arith.constant 0 : i32
      %dma_wait3A_108 = tpu.memref_slice %arg5[%arg0, %mul3A_100, %dma_wait3A_107] : memref<2x10000x128xf32, #tpu.memory_space<hbm>> -> memref<1x625x128xf32, #tpu.memory_space<hbm>>
      %dma_wait3A_109 = tpu.memref_squeeze %dma_wait3A_108 : memref<1x625x128xf32, #tpu.memory_space<hbm>> -> memref<625x128xf32, #tpu.memory_space<hbm>>
      %dma_wait3A_110 = arith.constant 0 : i32
      %dma_wait3A_111 = tpu.memref_slice %arg9[%mul3A_98, %dma_wait3A_110] : memref<10000x128xf32, #tpu.memory_space<vmem_shared>> -> memref<625x128xf32, #tpu.memory_space<vmem_shared>>
      tpu.wait_dma2 semaphore(%run_scoped3A_101 : memref<!tpu.dma_semaphore, #tpu.memory_space<semaphore_mem>>) src(%dma_wait3A_111 : memref<625x128xf32, #tpu.memory_space<vmem_shared>>) dst(%dma_wait3A_109 : memref<625x128xf32, #tpu.memory_space<hbm>>)
      tpu.yield
    }) : () -> ()
    return
  }
}

module attributes {stable_mosaic.version = 14 : i64} {
  func.func @body(%arg0: i32, %arg1: memref<64x10000xf32, #tpu.memory_space<vmem>>, %arg2: memref<2000x128xf32, #tpu.memory_space<vmem>>, %arg3: memref<64x2xf32, #tpu.memory_space<vmem>>, %arg4: memref<2000x128xf32, #tpu.memory_space<vmem>>, %arg5: memref<2000x2xf32, #tpu.memory_space<vmem>>, %arg6: memref<10000x2xf32, #tpu.memory_space<vmem>>) attributes {dimension_semantics = [#tpu.dimension_semantics<arbitrary>], iteration_bounds = array<i64: 5>, scalar_prefetch = 0 : i64, scratch_operands = 1 : i64, tpu.core_type = #tpu.core_type<tc>, window_params = [{pipeline_mode = #tpu.pipeline_mode<synchronous>, transform_indices = @transform_0, window_bounds = array<i64: 64, 10000>}, {transform_indices = @transform_1, window_bounds = array<i64: 2000, 128>}, {pipeline_mode = #tpu.pipeline_mode<synchronous>, transform_indices = @transform_2, window_bounds = array<i64: 64, 2>}, {transform_indices = @transform_3, window_bounds = array<i64: 2000, 128>}, {transform_indices = @transform_4, window_bounds = array<i64: 2000, 2>}]} {
    %eq3A = arith.constant 0 : i32
    %eq3A_0 = arith.cmpi eq, %arg0, %eq3A : i32
    %convert_element_type3A = arith.extui %eq3A_0 : i1 to i32
    %cond3A = arith.constant 0 : i32
    %cond3A_1 = arith.cmpi ne, %convert_element_type3A, %cond3A : i32
    scf.if %cond3A_1 {
      %get3A_15 = arith.constant 0 : index
      %get3A_16 = arith.constant 0 : index
      %get3A_17 = vector.load %arg1[%get3A_15, %get3A_16] : memref<64x10000xf32, #tpu.memory_space<vmem>>, vector<64x10000xf32>
      %get3A_18 = arith.constant 0 : index
      %get3A_19 = arith.constant 0 : index
      %get3A_20 = vector.load %arg3[%get3A_18, %get3A_19] : memref<64x2xf32, #tpu.memory_space<vmem>>, vector<64x2xf32>
      %dot_general3A = arith.constant dense<0.000000e+00> : vector<10000x2xf32>
      %dot_general3A_21 = tpu.matmul %get3A_17, %get3A_20, %dot_general3A {dimension_numbers = #tpu.dot_dimension_numbers<[0], [0], [1], [1], [0, 1, 1, 1], [], []>, transpose_lhs_hint = false} : vector<64x10000xf32>, vector<64x2xf32>, vector<10000x2xf32> -> vector<10000x2xf32>
      %gt3A = arith.constant 0.000000e+00 : f32
      %gt3A_22 = vector.broadcast %gt3A : f32 to vector<10000x2xf32>
      %gt3A_23 = arith.cmpf ogt, %dot_general3A_21, %gt3A_22 : vector<10000x2xf32>
      %jit3A = arith.constant 1.000000e+00 : f32
      %broadcast_in_dim3A = vector.broadcast %jit3A : f32 to vector<10000x2xf32>
      %select_n3A = arith.select %gt3A_23, %dot_general3A_21, %broadcast_in_dim3A : vector<10000x2xi1>, vector<10000x2xf32>
      %rsqrt3A = math.rsqrt %select_n3A : vector<10000x2xf32>
      %swap3A_24 = arith.constant 0 : index
      %swap3A_25 = arith.constant 0 : index
      %swap3A_26 = vector.load %arg6[%swap3A_24, %swap3A_25] : memref<10000x2xf32, #tpu.memory_space<vmem>>, vector<10000x2xf32>
      tpu.vector_store %arg6[%swap3A_24, %swap3A_25], %rsqrt3A {strides = array<i32>} : memref<10000x2xf32, #tpu.memory_space<vmem>>, vector<10000x2xf32>,
    } else {
    }
    %mul3A = arith.constant 2000 : i32
    %mul3A_2 = arith.muli %arg0, %mul3A : i32
    %get3A = arith.index_cast %mul3A_2 : i32 to index
    %get3A_3 = arith.constant 0 : index
    %get3A_4 = vector.load %arg6[%get3A, %get3A_3] : memref<10000x2xf32, #tpu.memory_space<vmem>>, vector<2000x2xf32>
    %get3A_5 = arith.constant 0 : index
    %get3A_6 = arith.constant 0 : index
    %get3A_7 = vector.load %arg2[%get3A_5, %get3A_6] : memref<2000x128xf32, #tpu.memory_space<vmem>>, vector<2000x128xf32>
    %slice3A = vector.extract_strided_slice %get3A_4 {offsets = [0, 0], sizes = [2000, 1], strides = [1, 1]} : vector<2000x2xf32> to vector<2000x1xf32>
    %mul3A_8 = vector.broadcast %slice3A : vector<2000x1xf32> to vector<2000x128xf32>
    %mul3A_9 = arith.mulf %get3A_7, %mul3A_8 : vector<2000x128xf32>
    %swap3A = arith.constant 0 : index
    %swap3A_10 = arith.constant 0 : index
    %swap3A_11 = vector.load %arg4[%swap3A, %swap3A_10] : memref<2000x128xf32, #tpu.memory_space<vmem>>, vector<2000x128xf32>
    tpu.vector_store %arg4[%swap3A, %swap3A_10], %mul3A_9 {strides = array<i32>} : memref<2000x128xf32, #tpu.memory_space<vmem>>, vector<2000x128xf32>,
    %swap3A_12 = arith.constant 0 : index
    %swap3A_13 = arith.constant 0 : index
    %swap3A_14 = vector.load %arg5[%swap3A_12, %swap3A_13] : memref<2000x2xf32, #tpu.memory_space<vmem>>, vector<2000x2xf32>
    tpu.vector_store %arg5[%swap3A_12, %swap3A_13], %get3A_4 {strides = array<i32>} : memref<2000x2xf32, #tpu.memory_space<vmem>>, vector<2000x2xf32>,
    return
  }
  func.func @transform_0(%arg0: i32) -> (i32, i32) {
    %c0_i32 = arith.constant 0 : i32
    %c0_i32_0 = arith.constant 0 : i32
    %c0_i32_1 = arith.constant 0 : i32
    return %c0_i32, %c0_i32_0 : i32, i32
  }
  func.func @transform_1(%arg0: i32) -> (i32, i32) {
    %c0_i32 = arith.constant 0 : i32
    %c0_i32_0 = arith.constant 0 : i32
    return %arg0, %c0_i32 : i32, i32
  }
  func.func @transform_2(%arg0: i32) -> (i32, i32) {
    %c0_i32 = arith.constant 0 : i32
    %c0_i32_0 = arith.constant 0 : i32
    %c0_i32_1 = arith.constant 0 : i32
    return %c0_i32, %c0_i32_0 : i32, i32
  }
  func.func @transform_3(%arg0: i32) -> (i32, i32) {
    %c0_i32 = arith.constant 0 : i32
    %c0_i32_0 = arith.constant 0 : i32
    return %arg0, %c0_i32 : i32, i32
  }
  func.func @transform_4(%arg0: i32) -> (i32, i32) {
    %c0_i32 = arith.constant 0 : i32
    %c0_i32_0 = arith.constant 0 : i32
    return %arg0, %c0_i32 : i32, i32
  }
}

module attributes {stable_mosaic.version = 14 : i64} {
  func.func @body(%arg0: i32, %arg1: i32, %arg2: memref<2000x128xf32, #tpu.memory_space<vmem>>, %arg3: memref<2000x128xf32, #tpu.memory_space<vmem>>, %arg4: memref<2000x2xf32, #tpu.memory_space<vmem>>, %arg5: memref<2000x128xf32, #tpu.memory_space<vmem>>, %arg6: memref<128x128xf32, #tpu.memory_space<vmem>>, %arg7: memref<1x128xf32, #tpu.memory_space<vmem>>, %arg8: memref<128x128xf32, #tpu.memory_space<vmem>>, %arg9: memref<1x128xf32, #tpu.memory_space<vmem>>, %arg10: memref<1x128xf32, #tpu.memory_space<vmem>>, %arg11: memref<1x128xf32, #tpu.memory_space<vmem>>, %arg12: memref<2000x128xf32, #tpu.memory_space<vmem>>, %arg13: memref<10000x128xf32, #tpu.memory_space<vmem>>, %arg14: memref<2x128xf32, #tpu.memory_space<vmem>>) attributes {dimension_semantics = [#tpu.dimension_semantics<arbitrary>, #tpu.dimension_semantics<arbitrary>], iteration_bounds = array<i64: 2, 5>, scalar_prefetch = 0 : i64, scratch_operands = 2 : i64, tpu.core_type = #tpu.core_type<tc>, window_params = [{transform_indices = @transform_0, window_bounds = array<i64: 2000, 128>}, {transform_indices = @transform_1, window_bounds = array<i64: 2000, 128>}, {transform_indices = @transform_2, window_bounds = array<i64: 2000, 2>}, {transform_indices = @transform_3, window_bounds = array<i64: 2000, 128>}, {pipeline_mode = #tpu.pipeline_mode<synchronous>, transform_indices = @transform_4, window_bounds = array<i64: 128, 128>}, {pipeline_mode = #tpu.pipeline_mode<synchronous>, transform_indices = @transform_5, window_bounds = array<i64: 1, 128>}, {pipeline_mode = #tpu.pipeline_mode<synchronous>, transform_indices = @transform_6, window_bounds = array<i64: 128, 128>}, {pipeline_mode = #tpu.pipeline_mode<synchronous>, transform_indices = @transform_7, window_bounds = array<i64: 1, 128>}, {pipeline_mode = #tpu.pipeline_mode<synchronous>, transform_indices = @transform_8, window_bounds = array<i64: 1, 128>}, {pipeline_mode = #tpu.pipeline_mode<synchronous>, transform_indices = @transform_9, window_bounds = array<i64: 1, 128>}, {transform_indices = @transform_10, window_bounds = array<i64: 2000, 128>}]} {
    %eq3A = arith.constant 0 : i32
    %eq3A_0 = arith.cmpi eq, %arg0, %eq3A : i32
    %convert_element_type3A = arith.extui %eq3A_0 : i1 to i32
    %cond3A = arith.constant 0 : i32
    %cond3A_1 = arith.cmpi ne, %convert_element_type3A, %cond3A : i32
    scf.if %cond3A_1 {
      %get3A = arith.constant 0 : index
      %get3A_7 = arith.constant 0 : index
      %get3A_8 = vector.load %arg2[%get3A, %get3A_7] : memref<2000x128xf32, #tpu.memory_space<vmem>>, vector<2000x128xf32>
      %get3A_9 = arith.constant 0 : index
      %get3A_10 = arith.constant 0 : index
      %get3A_11 = vector.load %arg3[%get3A_9, %get3A_10] : memref<2000x128xf32, #tpu.memory_space<vmem>>, vector<2000x128xf32>
      %add3A = arith.addf %get3A_8, %get3A_11 : vector<2000x128xf32>
      %get3A_12 = arith.constant 0 : index
      %get3A_13 = arith.constant 1 : index
      %get3A_14 = vector.load %arg4[%get3A_12, %get3A_13] : memref<2000x2xf32, #tpu.memory_space<vmem>>, vector<2000x1xf32>
      %mul3A = vector.broadcast %get3A_14 : vector<2000x1xf32> to vector<2000x128xf32>
      %mul3A_15 = arith.mulf %add3A, %mul3A : vector<2000x128xf32>
      %get3A_16 = arith.constant 0 : index
      %get3A_17 = arith.constant 0 : index
      %get3A_18 = vector.load %arg6[%get3A_16, %get3A_17] : memref<128x128xf32, #tpu.memory_space<vmem>>, vector<128x128xf32>
      %dot_general3A = arith.constant dense<0.000000e+00> : vector<2000x128xf32>
      %dot_general3A_19 = tpu.matmul %mul3A_15, %get3A_18, %dot_general3A {dimension_numbers = #tpu.dot_dimension_numbers<[1], [0], [0], [1], [0, 0, 1, 1], [], []>, transpose_lhs_hint = false} : vector<2000x128xf32>, vector<128x128xf32>, vector<2000x128xf32> -> vector<2000x128xf32>
      %get3A_20 = arith.constant 0 : index
      %get3A_21 = arith.constant 0 : index
      %get3A_22 = vector.load %arg7[%get3A_20, %get3A_21] : memref<1x128xf32, #tpu.memory_space<vmem>>, vector<1x128xf32>
      %add3A_23 = vector.broadcast %get3A_22 : vector<1x128xf32> to vector<2000x128xf32>
      %add3A_24 = arith.addf %dot_general3A_19, %add3A_23 : vector<2000x128xf32>
      %max3A = arith.constant 0.000000e+00 : f32
      %max3A_25 = vector.broadcast %max3A : f32 to vector<2000x128xf32>
      %max3A_26 = arith.maximumf %add3A_24, %max3A_25 : vector<2000x128xf32>
      %get3A_27 = arith.constant 0 : index
      %get3A_28 = arith.constant 0 : index
      %get3A_29 = vector.load %arg5[%get3A_27, %get3A_28] : memref<2000x128xf32, #tpu.memory_space<vmem>>, vector<2000x128xf32>
      %get3A_30 = arith.constant 0 : index
      %get3A_31 = arith.constant 0 : index
      %get3A_32 = vector.load %arg8[%get3A_30, %get3A_31] : memref<128x128xf32, #tpu.memory_space<vmem>>, vector<128x128xf32>
      %dot_general3A_33 = arith.constant dense<0.000000e+00> : vector<2000x128xf32>
      %dot_general3A_34 = tpu.matmul %get3A_29, %get3A_32, %dot_general3A_33 {dimension_numbers = #tpu.dot_dimension_numbers<[1], [0], [0], [1], [0, 0, 1, 1], [], []>, transpose_lhs_hint = false} : vector<2000x128xf32>, vector<128x128xf32>, vector<2000x128xf32> -> vector<2000x128xf32>
      %get3A_35 = arith.constant 0 : index
      %get3A_36 = arith.constant 0 : index
      %get3A_37 = vector.load %arg9[%get3A_35, %get3A_36] : memref<1x128xf32, #tpu.memory_space<vmem>>, vector<1x128xf32>
      %add3A_38 = vector.broadcast %get3A_37 : vector<1x128xf32> to vector<2000x128xf32>
      %add3A_39 = arith.addf %dot_general3A_34, %add3A_38 : vector<2000x128xf32>
      %max3A_40 = arith.constant 0.000000e+00 : f32
      %max3A_41 = vector.broadcast %max3A_40 : f32 to vector<2000x128xf32>
      %max3A_42 = arith.maximumf %add3A_39, %max3A_41 : vector<2000x128xf32>
      %add3A_43 = arith.addf %max3A_26, %max3A_42 : vector<2000x128xf32>
      %mul3A_44 = arith.constant 2000 : i32
      %mul3A_45 = arith.muli %arg1, %mul3A_44 : i32
      %swap3A = arith.index_cast %mul3A_45 : i32 to index
      %swap3A_46 = arith.constant 0 : index
      %swap3A_47 = vector.load %arg13[%swap3A, %swap3A_46] : memref<10000x128xf32, #tpu.memory_space<vmem>>, vector<2000x128xf32>
      tpu.vector_store %arg13[%swap3A, %swap3A_46], %add3A_43 {strides = array<i32>} : memref<10000x128xf32, #tpu.memory_space<vmem>>, vector<2000x128xf32>,
      %swap3A_48 = arith.constant 0 : index
      %swap3A_49 = arith.constant 0 : index
      %swap3A_50 = vector.load %arg12[%swap3A_48, %swap3A_49] : memref<2000x128xf32, #tpu.memory_space<vmem>>, vector<2000x128xf32>
      tpu.vector_store %arg12[%swap3A_48, %swap3A_49], %add3A_43 {strides = array<i32>} : memref<2000x128xf32, #tpu.memory_space<vmem>>, vector<2000x128xf32>,
      %reduce_sum3A = arith.constant dense<0.000000e+00> : vector<128xf32>
      %reduce_sum3A_51 = vector.multi_reduction <add>, %add3A_43, %reduce_sum3A [0] : vector<2000x128xf32> to vector<128xf32>
      %broadcast_in_dim3A = vector.shape_cast %reduce_sum3A_51 : vector<128xf32> to vector<1x128xf32>
      %mul3A_52 = arith.mulf %add3A_43, %add3A_43 : vector<2000x128xf32>
      %reduce_sum3A_53 = arith.constant dense<0.000000e+00> : vector<128xf32>
      %reduce_sum3A_54 = vector.multi_reduction <add>, %mul3A_52, %reduce_sum3A_53 [0] : vector<2000x128xf32> to vector<128xf32>
      %broadcast_in_dim3A_55 = vector.shape_cast %reduce_sum3A_54 : vector<128xf32> to vector<1x128xf32>
      %concatenate3A = tpu.concatenate %broadcast_in_dim3A, %broadcast_in_dim3A_55 in 0 : vector<1x128xf32>, vector<1x128xf32> -> vector<2x128xf32>
      %eq3A_56 = arith.constant 0 : i32
      %eq3A_57 = arith.cmpi eq, %arg1, %eq3A_56 : i32
      %convert_element_type3A_58 = arith.extui %eq3A_57 : i1 to i32
      %cond3A_59 = arith.constant 0 : i32
      %cond3A_60 = arith.cmpi ne, %convert_element_type3A_58, %cond3A_59 : i32
      scf.if %cond3A_60 {
        %swap3A_65 = arith.constant 0 : index
        %swap3A_66 = arith.constant 0 : index
        %swap3A_67 = vector.load %arg14[%swap3A_65, %swap3A_66] : memref<2x128xf32, #tpu.memory_space<vmem>>, vector<2x128xf32>
        tpu.vector_store %arg14[%swap3A_65, %swap3A_66], %concatenate3A {strides = array<i32>} : memref<2x128xf32, #tpu.memory_space<vmem>>, vector<2x128xf32>,
      } else {
      }
      %gt3A = arith.constant 0 : i32
      %gt3A_61 = arith.cmpi sgt, %arg1, %gt3A : i32
      %convert_element_type3A_62 = arith.extui %gt3A_61 : i1 to i32
      %cond3A_63 = arith.constant 0 : i32
      %cond3A_64 = arith.cmpi ne, %convert_element_type3A_62, %cond3A_63 : i32
      scf.if %cond3A_64 {
        %get3A_65 = arith.constant 0 : index
        %get3A_66 = arith.constant 0 : index
        %get3A_67 = vector.load %arg14[%get3A_65, %get3A_66] : memref<2x128xf32, #tpu.memory_space<vmem>>, vector<2x128xf32>
        %add3A_68 = arith.addf %get3A_67, %concatenate3A : vector<2x128xf32>
        %swap3A_69 = arith.constant 0 : index
        %swap3A_70 = arith.constant 0 : index
        %swap3A_71 = vector.load %arg14[%swap3A_69, %swap3A_70] : memref<2x128xf32, #tpu.memory_space<vmem>>, vector<2x128xf32>
        tpu.vector_store %arg14[%swap3A_69, %swap3A_70], %add3A_68 {strides = array<i32>} : memref<2x128xf32, #tpu.memory_space<vmem>>, vector<2x128xf32>,
      } else {
      }
    } else {
    }
    %eq3A_2 = arith.constant 1 : i32
    %eq3A_3 = arith.cmpi eq, %arg0, %eq3A_2 : i32
    %convert_element_type3A_4 = arith.extui %eq3A_3 : i1 to i32
    %cond3A_5 = arith.constant 0 : i32
    %cond3A_6 = arith.cmpi ne, %convert_element_type3A_4, %cond3A_5 : i32
    scf.if %cond3A_6 {
      %get3A = arith.constant 0 : index
      %get3A_7 = arith.constant 0 : index
      %get3A_8 = vector.load %arg14[%get3A, %get3A_7] : memref<2x128xf32, #tpu.memory_space<vmem>>, vector<2x128xf32>
      %slice3A = vector.extract_strided_slice %get3A_8 {offsets = [0, 0], sizes = [1, 128], strides = [1, 1]} : vector<2x128xf32> to vector<1x128xf32>
      %mul3A = arith.constant 9.99999974E-5 : f32
      %mul3A_9 = vector.broadcast %mul3A : f32 to vector<1x128xf32>
      %mul3A_10 = arith.mulf %slice3A, %mul3A_9 : vector<1x128xf32>
      %slice3A_11 = vector.extract_strided_slice %get3A_8 {offsets = [1, 0], sizes = [1, 128], strides = [1, 1]} : vector<2x128xf32> to vector<1x128xf32>
      %mul3A_12 = arith.constant 9.99999974E-5 : f32
      %mul3A_13 = vector.broadcast %mul3A_12 : f32 to vector<1x128xf32>
      %mul3A_14 = arith.mulf %slice3A_11, %mul3A_13 : vector<1x128xf32>
      %mul3A_15 = arith.mulf %mul3A_10, %mul3A_10 : vector<1x128xf32>
      %sub3A = arith.subf %mul3A_14, %mul3A_15 : vector<1x128xf32>
      %mul3A_16 = arith.constant 2000 : i32
      %mul3A_17 = arith.muli %arg1, %mul3A_16 : i32
      %get3A_18 = arith.index_cast %mul3A_17 : i32 to index
      %get3A_19 = arith.constant 0 : index
      %get3A_20 = vector.load %arg13[%get3A_18, %get3A_19] : memref<10000x128xf32, #tpu.memory_space<vmem>>, vector<2000x128xf32>
      %sub3A_21 = vector.broadcast %mul3A_10 : vector<1x128xf32> to vector<2000x128xf32>
      %sub3A_22 = arith.subf %get3A_20, %sub3A_21 : vector<2000x128xf32>
      %add3A = arith.constant 9.99999974E-6 : f32
      %add3A_23 = vector.broadcast %add3A : f32 to vector<1x128xf32>
      %add3A_24 = arith.addf %sub3A, %add3A_23 : vector<1x128xf32>
      %rsqrt3A = math.rsqrt %add3A_24 : vector<1x128xf32>
      %mul3A_25 = vector.broadcast %rsqrt3A : vector<1x128xf32> to vector<2000x128xf32>
      %mul3A_26 = arith.mulf %sub3A_22, %mul3A_25 : vector<2000x128xf32>
      %get3A_27 = arith.constant 0 : index
      %get3A_28 = arith.constant 0 : index
      %get3A_29 = vector.load %arg10[%get3A_27, %get3A_28] : memref<1x128xf32, #tpu.memory_space<vmem>>, vector<1x128xf32>
      %mul3A_30 = vector.broadcast %get3A_29 : vector<1x128xf32> to vector<2000x128xf32>
      %mul3A_31 = arith.mulf %mul3A_26, %mul3A_30 : vector<2000x128xf32>
      %get3A_32 = arith.constant 0 : index
      %get3A_33 = arith.constant 0 : index
      %get3A_34 = vector.load %arg11[%get3A_32, %get3A_33] : memref<1x128xf32, #tpu.memory_space<vmem>>, vector<1x128xf32>
      %add3A_35 = vector.broadcast %get3A_34 : vector<1x128xf32> to vector<2000x128xf32>
      %add3A_36 = arith.addf %mul3A_31, %add3A_35 : vector<2000x128xf32>
      %swap3A = arith.constant 0 : index
      %swap3A_37 = arith.constant 0 : index
      %swap3A_38 = vector.load %arg12[%swap3A, %swap3A_37] : memref<2000x128xf32, #tpu.memory_space<vmem>>, vector<2000x128xf32>
      tpu.vector_store %arg12[%swap3A, %swap3A_37], %add3A_36 {strides = array<i32>} : memref<2000x128xf32, #tpu.memory_space<vmem>>, vector<2000x128xf32>,
    } else {
    }
    return
  }
  func.func @transform_0(%arg0: i32, %arg1: i32) -> (i32, i32) {
    %c0_i32 = arith.constant 0 : i32
    %c0_i32_0 = arith.constant 0 : i32
    return %arg1, %c0_i32 : i32, i32
  }
  func.func @transform_1(%arg0: i32, %arg1: i32) -> (i32, i32) {
    %c0_i32 = arith.constant 0 : i32
    %c0_i32_0 = arith.constant 0 : i32
    return %arg1, %c0_i32 : i32, i32
  }
  func.func @transform_2(%arg0: i32, %arg1: i32) -> (i32, i32) {
    %c0_i32 = arith.constant 0 : i32
    %c0_i32_0 = arith.constant 0 : i32
    return %arg1, %c0_i32 : i32, i32
  }
  func.func @transform_3(%arg0: i32, %arg1: i32) -> (i32, i32) {
    %c0_i32 = arith.constant 0 : i32
    %c0_i32_0 = arith.constant 0 : i32
    return %arg1, %c0_i32 : i32, i32
  }
  func.func @transform_4(%arg0: i32, %arg1: i32) -> (i32, i32) {
    %c0_i32 = arith.constant 0 : i32
    %c0_i32_0 = arith.constant 0 : i32
    %c0_i32_1 = arith.constant 0 : i32
    return %c0_i32, %c0_i32_0 : i32, i32
  }
  func.func @transform_5(%arg0: i32, %arg1: i32) -> (i32, i32) {
    %c0_i32 = arith.constant 0 : i32
    %c0_i32_0 = arith.constant 0 : i32
    %c0_i32_1 = arith.constant 0 : i32
    return %c0_i32, %c0_i32_0 : i32, i32
  }
  func.func @transform_6(%arg0: i32, %arg1: i32) -> (i32, i32) {
    %c0_i32 = arith.constant 0 : i32
    %c0_i32_0 = arith.constant 0 : i32
    %c0_i32_1 = arith.constant 0 : i32
    return %c0_i32, %c0_i32_0 : i32, i32
  }
  func.func @transform_7(%arg0: i32, %arg1: i32) -> (i32, i32) {
    %c0_i32 = arith.constant 0 : i32
    %c0_i32_0 = arith.constant 0 : i32
    %c0_i32_1 = arith.constant 0 : i32
    return %c0_i32, %c0_i32_0 : i32, i32
  }
  func.func @transform_8(%arg0: i32, %arg1: i32) -> (i32, i32) {
    %c0_i32 = arith.constant 0 : i32
    %c0_i32_0 = arith.constant 0 : i32
    %c0_i32_1 = arith.constant 0 : i32
    return %c0_i32, %c0_i32_0 : i32, i32
  }
  func.func @transform_9(%arg0: i32, %arg1: i32) -> (i32, i32) {
    %c0_i32 = arith.constant 0 : i32
    %c0_i32_0 = arith.constant 0 : i32
    %c0_i32_1 = arith.constant 0 : i32
    return %c0_i32, %c0_i32_0 : i32, i32
  }
  func.func @transform_10(%arg0: i32, %arg1: i32) -> (i32, i32) {
    %c0_i32 = arith.constant 0 : i32
    %c0_i32_0 = arith.constant 0 : i32
    return %arg1, %c0_i32 : i32, i32
  }
}

</mosaic_0001>

<sc_bundles>
// kernel: kernel.6.cloned.1.call-start
scs
__scs_entry_jumppad:
0x0: {  	(pc) =	sbr.rel $0x88, $3  }
0x1: {  	(tag) =	ssettag $0x0;
	lr =	simm.s32 $0x1  }
0x2: {  	[smem:$0x3F99] =	sst lr;
	_ =	strace $0xD0000000  }
0x3: {  	_ = 	snop  }
0x4: {  	_ = 	snop  }
0x5: {  	_ = 	snop  }
0x6: {  	_ = 	snop  }
0x7: {  	_ = 	snop  }
__scs_overlays_trampoline_lowered:
0x8: {  	[smem:$0x3FA8] =	sst s0  }
0x9: {  	[smem:$0x3FA9] =	sst s1  }
0xa: {  	[smem:$0x3FAA] =	sst s2  }
0xb: {  	[smem:$0x3FAB] =	sst s3  }
0xc: {  	[smem:$0x3FAC] =	sst s4  }
0xd: {  	[smem:$0x3FAD] =	sst s5  }
0xe: {  	[smem:$0x3FAE] =	sst s6  }
0xf: {  	[smem:$0x3FAF] =	sst s7  }
0x10: {  	[smem:$0x3FB0] =	sst s8  }
0x11: {  	[smem:$0x3FB1] =	sst s9;
	s0 =	simm.s32 @!p0 $0x0  }
0x12: {  	s1 =	sld [smem:$0x3F97];
	s0 =	simm.s32 @p0 $0x1  }
0x13: {  	[smem:$0x3FB2] =	sst s0;
	s0 =	simm.s32 @!p1 $0x0  }
0x14: {  	s2 =	sld [smem:$0x3F96];
	s0 =	simm.s32 @p1 $0x1  }
0x15: {  	[smem:$0x3FB3] =	sst s0;
	s0 =	simm.s32 @!p2 $0x0  }
0x16: {  	s3 =	sld [smem:$0x3FDB];
	s0 =	simm.s32 @p2 $0x1  }
0x17: {  	s4 =	simm.s32 $0x1BF5;
	[smem:$0x3FB5] =	sst s0  }
0x18: {  	s0 =	sld [smem:$0x3F98];
	_ =	swait.ge [sflag:s4], $0x0  }
0x19: {  	s7 =	sld [smem:$0x3F99]  }
0x1a: {  	s8 =	sadd.s32 $0xFFFFE003, lr  }
0x1b: {  	s9 =	sadd.s32 $0xFFFFFEF7, lr;
	s5 =	simm.s32 $0xFFFFFFFF;
	p2 =	slt.u32 s8, $0xFFFFF086  }
0x1c: {  	p1 =	slt.u32 s9, $0xF7A;
	s5 =	simm.s32 @!p2 $0x0  }
0x1d: {  	s5 =	simm.s32 @p1 $0x1;
	p0 =	seq.s32 s7, s2  }
0x1e: {  	s7 =	smul.u32 @!p0 $0xF7A, s2;
	p2 =	seq.s32 @!p0 s5, $0x0  }
0x1f: {  	s9 =	smul.u32 $0xF7A, s1;
	s8 =	simm.s32 @!p0 $0x1BF5;
	p2 =	por !p2, p0  }
0x20: {  	[sflag:s8] =	ssyncset.s32 @!p0 $0xFFFFF086;
	s6 =	sadd.s32 @!p0 s3, s7;
	s7 =	simm.s32 @!p0 $0x108  }
0x21: {  	s3 =	sadd.s32 s3, s9;
	s6 =	sadd.s32 @!p0 $0x88, s6;
	s7 =	simm.s32 @p2 $0x1082  }
0x22: {  	[simem:s7], [sflag:s8] =	dma.local @!p0 [hbm:s6], $0xF7A  }
0x23: {  	s9 =	sor.u32 $0xD0000000, s2;
	s6 =	simm.s32 $0x108;
	_ =	swait.ge @!p0 [sflag:s8], $0x0  }
0x24: {  	s3 =	sadd.s32 $0x88, s3;
	s6 =	simm.s32 @!p1 $0x1082;
	[sflag:s4] =	ssyncset.s32 $0xFFFFF086  }
0x25: {  	[simem:s6], [sflag:s4] =	dma.local [hbm:s3], $0xF7A  }
0x26: {  	[smem:$0x3F99] =	sst s1;
	(tag) =	ssettag s2;
	_ =	strace s9  }
0x27: {  	s1 =	sld [smem:$0x3FA9]  }
0x28: {  	s2 =	sld [smem:$0x3FAA]  }
0x29: {  	s4 =	sld [smem:$0x3FAC]  }
0x2a: {  	p0 =	seq.s32 s5, $0x0;
	s5 =	sld [smem:$0x3FAD]  }
0x2b: {  	s6 =	sld [smem:$0x3FAE]  }
0x2c: {  	s7 =	sld [smem:$0x3FAF]  }
0x2d: {  	s3 =	simm.s32 $0x108;
	s8 =	sld [smem:$0x3FB0]  }
0x2e: {  	s3 =	simm.s32 @!p0 $0x1082;
	s9 =	sld [smem:$0x3FB1]  }
0x2f: {  	lr =	sadd.s32 s0, s3;
	s0 =	sld [smem:$0x3FA8]  }
0x30: {  	s3 =	sld [smem:$0x3FAB]  }
0x31: {  	[smem:$0x3FB4] =	sst s10  }
0x32: {  	s10 =	sld [smem:$0x3FB2];
	_ =	sdelay $0x3  }
0x33: {  	p0 =	seq.s32 s10, $0x1;
	s10 =	sld [smem:$0x3FB4];
	_ =	sdelay $0x3  }
0x34: {  	[smem:$0x3FB4] =	sst s10  }
0x35: {  	s10 =	sld [smem:$0x3FB3];
	_ =	sdelay $0x3  }
0x36: {  	p1 =	seq.s32 s10, $0x1;
	s10 =	sld [smem:$0x3FB4];
	_ =	sdelay $0x3  }
0x37: {  	[smem:$0x3FB4] =	sst s10  }
0x38: {  	s10 =	sld [smem:$0x3FB5]  }
0x39: {  	_ = 	snop;
	(pc) =	sbr.ind lr, $3  }
0x3a: {  	_ = 	snop  }
0x3b: {  	_ = 	snop  }
0x3c: {  	p2 =	seq.s32 s10, $0x1;
	s10 =	sld [smem:$0x3FB4]  }
0x3d: {  	_ =	shalt  }
0x3e: {  	_ =	shalt  }
0x3f: {  	_ =	shalt  }
0x40: {  	_ =	shalt  }
0x41: {  	_ =	shalt  }
0x42: {  	_ =	shalt  }
0x43: {  	_ =	shalt  }
0x44: {  	_ =	shalt  }
0x45: {  	_ =	shalt  }
0x46: {  	_ =	shalt  }
0x47: {  	_ =	shalt  }
0x48: {  	_ =	shalt  }
0x49: {  	_ =	shalt  }
0x4a: {  	_ =	shalt  }
0x4b: {  	_ =	shalt  }
0x4c: {  	_ =	shalt  }
0x4d: {  	_ =	shalt  }
0x4e: {  	_ =	shalt  }
0x4f: {  	_ =	shalt  }
0x50: {  	_ =	shalt  }
0x51: {  	_ =	shalt  }
0x52: {  	_ =	shalt  }
0x53: {  	_ =	shalt  }
0x54: {  	_ =	shalt  }
0x55: {  	_ =	shalt  }
0x56: {  	_ =	shalt  }
0x57: {  	_ =	shalt  }
0x58: {  	_ =	shalt  }
0x59: {  	_ =	shalt  }
0x5a: {  	_ =	shalt  }
0x5b: {  	_ =	shalt  }
0x5c: {  	_ =	shalt  }
0x5d: {  	_ =	shalt  }
0x5e: {  	_ =	shalt  }
0x5f: {  	_ =	shalt  }
0x60: {  	_ =	shalt  }
0x61: {  	_ =	shalt  }
0x62: {  	_ =	shalt  }
0x63: {  	_ =	shalt  }
0x64: {  	_ =	shalt  }
0x65: {  	_ =	shalt  }
0x66: {  	_ =	shalt  }
0x67: {  	_ =	shalt  }
0x68: {  	_ =	shalt  }
0x69: {  	_ =	shalt  }
0x6a: {  	_ =	shalt  }
0x6b: {  	_ =	shalt  }
0x6c: {  	_ =	shalt  }
0x6d: {  	_ =	shalt  }
0x6e: {  	_ =	shalt  }
0x6f: {  	_ =	shalt  }
0x70: {  	_ =	shalt  }
0x71: {  	_ =	shalt  }
0x72: {  	_ =	shalt  }
0x73: {  	_ =	shalt  }
0x74: {  	_ =	shalt  }
0x75: {  	_ =	shalt  }
0x76: {  	_ =	shalt  }
0x77: {  	_ =	shalt  }
0x78: {  	_ =	shalt  }
0x79: {  	_ =	shalt  }
0x7a: {  	_ =	shalt  }
0x7b: {  	_ =	shalt  }
0x7c: {  	_ =	shalt  }
0x7d: {  	_ =	shalt  }
0x7e: {  	_ =	shalt  }
0x7f: {  	_ =	shalt  }
0x80: {  	_ =	shalt  }
0x81: {  	_ =	shalt  }
0x82: {  	_ =	shalt  }
0x83: {  	_ =	shalt  }
0x84: {  	_ =	shalt  }
0x85: {  	_ =	shalt  }
0x86: {  	_ =	shalt  }
0x87: {  	_ =	shalt  }
.Lfunc_end0:
.L_simem_size_0:
called_computation_lowered:
.L_overlay_start_0:
0x88: {  	s2 =	sld [smem:$0x3FD9]  }
0x89: {  	s3 =	sld [smem:$0x3FFE];
	_ =	sdelay $0x1  }
0x8a: {  	s1 =	srdreg.scid  }
0x8b: {  	s0 =	sand.u32 $0x1, s1  }
0x8c: {  	s17 =	sshll.u32 s0, $0xA;
	s2 =	sadd.s32 s3, s2  }
0x8d: {  	s2 =	sadd.s32 s2, s17  }
0x8e: {  	[smem:$0x3FC0] =	sst s2  }
0x8f: {  	_ = 	snop  }
0x90: {  	s2 =	sld [smem:$0x3FD0];
	(tm) =	ssettm $0x1  }
0x91: {  	s18 =	sld [smem:$0x3FFB];
	_ =	sdelay $0x3  }
0x92: {  	_ =	strace s18  }
0x93: {  	s3 =	sld [smem:$0x3FFC];
	_ =	sdelay $0x3  }
0x94: {  	_ =	strace s3  }
0x95: {  	s3 =	sld [smem:$0x3FFD];
	_ =	sdelay $0x3  }
0x96: {  	_ =	strace s3  }
0x97: {  	_ =	strace $0x8FFFFFFF  }
0x98: {  	s19 =	sld [smem:$0x3FDB];
	_ =	sdelay $0x1  }
0x99: {  	s4 =	simm.s32 $_scs_section_size  }
0x9a: {  	s5 =	simm.s32 $_size__tile_overlayer_lowered;
	s6 =	simm.s32 $_tile_overlayer_lowered  }
0x9b: {  	s22 =	simm.s32 $0x1BFF;
	s21 =	sshll.u32 s6, $0x1;
	s3 =	sadd.s32 s4, s19  }
0x9c: {  	s7 =	simm.s32 $0x0;
	s20 =	sshll.u32 s5, $0x1;
	s5 =	sadd.s32 s21, s3  }
0x9d: {  	[timem:s7], [sflag:s22] =	dma.local [hbm:s5], s20  }
0x9e: {  	_ =	swait.ge [sflag:s22], s20  }
0x9f: {  	s4 =	ssub.s32 $0x0, s20;
	[sflag:s22] =	ssyncset.done $0x0  }
0xa0: {  	[sflag:s22] =	ssyncadd.s32 s4;
	_ =	sdelay $0x1  }
0xa1: {  	s23 =	simm.s32 $0x1B8B  }
0xa2: {  	_ =	swait.ge [sflag:s23], $0x1  }
0xa3: {  	[sflag:s23] =	ssyncset.done $0x0  }
0xa4: {  	s25 =	simm.s32 $0x1B8E;
	s24 =	sld [smem:$0x3FFE];
	[sflag:s23] =	ssyncadd.s32 $0xFFFFFFFF  }
0xa5: {  	s26 =	simm.s32 $execute0_lowered;
	[smem:$0x3FD2] =	sst s25  }
0xa6: {  	s5 =	sshll.u32 s26, $0x1;
	_ =	strace $0x80000046;
	[dreg:$0x1] =	wrdreg $0xFFFFFFFF  }
0xa7: {  	s28 =	simm.s32 $_size_execute0_lowered;
	s3 =	sadd.s32 s3, s5;
	[dreg:$0x0] =	wrdreg $0x0  }
0xa8: {  	s5 =	sshll.u32 s28, $0x1;
	[dreg:$0x2] =	wrdreg s3  }
0xa9: {  	[dreg:$0x3] =	wrdreg s5  }
0xaa: {  	[dreg:$0x4] =	wrdreg $0xC0  }
0xab: {  	_ =	task [dreg:s7], $0x5FFFF  }
0xac: {  	[dreg:$0x1] =	wrdreg $0xFFFFFFFF  }
0xad: {  	[dreg:$0x0] =	wrdreg $0x60  }
0xae: {  	[dreg:$0x2] =	wrdreg s24  }
0xaf: {  	[dreg:$0x3] =	wrdreg s2  }
0xb0: {  	[dreg:$0x4] =	wrdreg $0x9  }
0xb1: {  	_ =	task.clear_ibuf [dreg:s7], $0x5FFFF;
	_ =	strace $0x90000046  }
0xb2: {  	s29 =	simm.s32 $0x9;
	_ =	strace $0x80000048  }
0xb3: {  	_ =	swait.ge [sflag:s29], $0x1  }
0xb4: {  	[sflag:s29] =	ssyncadd.s32 $0xFFFFFFFF  }
0xb5: {  	_ =	strace $0x90000048  }
0xb6: {  	_ =	sfence  }
0xb7: {  	s30 =	sld [smem:$0x0];
	_ =	sdelay $0x2  }
0xb8: {  	s31 =	sshll.u32 s1, $0xD;
	s1 =	sshrl.u32 s1, $0x2  }
0xb9: {  	s3 =	sand.u32 $0x4000, s31;
	s1 =	sadd.s32 s1, s30  }
0xba: {  	s0 =	sor.u32 s3, s0;
	s1 =	sshll.u32 s1, $0x11  }
0xbb: {  	s0 =	sor.u32 s1, s0  }
0xbc: {  	s0 =	sadd.s32 $0x8F2B, s0  }
0xbd: {  	[sflag:s0] =	ssyncadd.remote.s32 $0x1  }
0xbe: {  	_ =	sfence.sel $0xFFFF  }
0xbf: {  	[dreg:$0x0] =	wrdreg $0xFFFFFFFF;
	(pc) =	sbr.abs _section_cstart, $3  }
0xc0: {  	[dreg:$0x1] =	wrdreg $0xFFFFFFFF  }
0xc1: {  	_ =	task.clear_ibuf [dreg:s7], $0x2FFFF;
	_ =	strace $0x9FFFFFFF  }
0xc2: {  	(tm) =	ssettm $0x7FFFFFFF  }
0xc3: {  	_ =	shalt  }
tec
execute0_lowered:
.L_overlay_start_1:
0x0: {  	(tag) =	ssettag $0x1  }
0x1: {  	s1 =	srdreg.scid;
	s4 =	rddreg [dreg:$0x0]  }
0x2: {  	s0 =	stileid.u32;
	s5 =	rddreg [dreg:$0x1];
	s2 =	simm.s32 $0x0  }
0x3: {  	s8 =	simm.s32 $0x2710;
	s9 =	simm.s32 $0x1;
	s10 =	simm.s32 $0x4E20  }
0x4: {  	s11 =	simm.s32 $0x2;
	s3 =	sand.u32 $0x1, s1;
	s31 =	sshll.u32 s0, $0x1  }
0x5: {  	s12 =	simm.s32 $0x7530;
	s13 =	simm.s32 $0x3;
	s1 =	sor.u32 s3, s31  }
0x6: {  	[smem:$0x7FF] =	sst s2;
	s3 =	ssub.s32 $0x2, s3;
	s6 =	smul.u32 $0x2710, s1  }
0x7: {  	s14 =	simm.s32 $0x0;
	s1 =	rddreg [dreg:$0x2];
	s7 =	sshrl.u32 s3, $0x1  }
0x8: {  	_ =	strace $0x80000047;
	s7 =	ssub.s32 s3, s7;
	s6 =	sshrl.u32 s6, $0x3  }
0x9: {  	s7 =	smax.u32 s7, $0x1;
	s4 =	sadd.s32 s6, s4;
	s5 =	sadd.s32 s5, s6  }
0xa: {  	v0 =	vimm.f32 $0.0e+00;
	v1 =	vimm.f32 $1.000000000e+00;
	s3 =	sadd.s32 $0xBA00, s4;
	s4 =	sadd.s32 $0x1C00, s4;
	s6 =	sadd.s32 $0x9C40, s5  }
.LBB2_1:
0xb: {  	[tilespmem:s2], [sflag:$0x1] =	stream.linear.gather [hbm4b:s3+s2], $0x2710, $0x38;
	[tilespmem:$0x9C40] =	vst v63  }
0xc: {  	s15 =	simm.s32 $0x40;
	s16 =	simm.s32 $0x0  }
0xd: {  	[tilespmem:s8], [sflag:$0x2] =	stream.linear.gather [hbm4b:s4+s2], $0x2710, $0x38;
	[tilespmem:$0x9C40] =	vst v63  }
.LBB2_2:
0xe: {  	p0 =	sne.s32 s15, $0x9C00;
	[tilespmem:s16+$0x4E20] =	vst v0;
	s17 =	smov.u32 s15;
	s15 =	sadd.s32 $0x40, s15  }
.Ltmp0:
0xf: {  	[tilespmem:s16+$0x7530] =	vst v0;
	(pc) =	sbr.rel @p0 .LBB2_2-.Ltmp0, $2  }
0x10: {  	_ =	sdelay $0x2  }
0x11: {  	s16 =	sshra.s32 s17, $0x2  }
0x12: {  	[tilespmem:s16+$0x4E20] =	vst v0  }
0x13: {  	[tilespmem:s16+$0x7530] =	vst v0  }
0x14: {  	_ =	swait.ge [sflag:s9], $0x2710  }
0x15: {  	[sflag:s9] =	ssyncset.done $0x0  }
0x16: {  	s16 =	simm.s32 $0x0;
	s15 =	simm.s32 $0x40;
	[sflag:s9] =	ssyncadd.s32 $0xFFFFD8F0  }
.LBB2_4:
0x17: {  	p0 =	sne.s32 s15, $0x9C00;
	v2 =	vld [tilespmem:s16+$0x0];
	_ =	sdelay $0x3  }
.Ltmp1:
0x18: {  	(pc) =	sbr.rel @p0 .LBB2_4-.Ltmp1, $2  }
0x19: {  	_ =	sdelay $0x2  }
0x1a: {  	s16 =	sshra.s32 s15, $0x2;
	s15 =	sadd.s32 $0x40, s15;
	[tilespmem:v2+s10+$0x0] =	vst.idx.add.f32.msk $0xffff, v1  }
0x1b: {  	v2 =	vld [tilespmem:s16+$0x0];
	_ =	sdelay $0x7  }
0x1c: {  	[tilespmem:v2+s10+$0x0] =	vst.idx.add.f32.msk $0xffff, v1  }
0x1d: {  	_ =	swait.ge [sflag:s11], $0x2710  }
0x1e: {  	[sflag:s11] =	ssyncset.done $0x0  }
0x1f: {  	s16 =	simm.s32 $0x0;
	s15 =	simm.s32 $0x40;
	[sflag:s11] =	ssyncadd.s32 $0xFFFFD8F0  }
.LBB2_6:
0x20: {  	p0 =	sne.s32 s15, $0x9C00;
	v2 =	vld [tilespmem:s16+$0x2710];
	_ =	sdelay $0x3  }
.Ltmp2:
0x21: {  	(pc) =	sbr.rel @p0 .LBB2_6-.Ltmp2, $2  }
0x22: {  	_ =	sdelay $0x2  }
0x23: {  	s16 =	sshra.s32 s15, $0x2;
	s15 =	sadd.s32 $0x40, s15;
	[tilespmem:v2+s12+$0x0] =	vst.idx.add.f32.msk $0xffff, v1  }
0x24: {  	v2 =	vld [tilespmem:s16+$0x2710];
	_ =	sdelay $0x7  }
0x25: {  	[tilespmem:v2+s12+$0x0] =	vst.idx.add.f32.msk $0xffff, v1  }
0x26: {  	[hbm4b:s5+s2] =	stream.linear.scatter [tilespmem:s10], [sflag:$0x3], $0x2710, $0x38;
	[tilespmem:$0x9C40] =	vst v63  }
0x27: {  	s14 =	sadd.s32 $0x1, s14;
	_ =	swait.ge [sflag:s13], $0x2710  }
0x28: {  	p0 =	sne.s32 s14, s7;
	[sflag:s13] =	ssyncset.done $0x0  }
.Ltmp3:
0x29: {  	[sflag:s13] =	ssyncadd.s32 $0xFFFFD8F0;
	(pc) =	sbr.rel @p0 .LBB2_1-.Ltmp3, $4  }
0x2a: {  	[hbm4b:s6+s2] =	stream.linear.scatter [tilespmem:s12], [sflag:$0x3], $0x2710, $0x38;
	[tilespmem:$0x9C40] =	vst v63  }
0x2b: {  	_ =	swait.ge [sflag:s13], $0x2710  }
0x2c: {  	[sflag:s13] =	ssyncset.done $0x0  }
0x2d: {  	[sflag:s13] =	ssyncadd.s32 $0xFFFFD8F0  }
0x2e: {  	_ =	sfence.sel $0x180000  }
0x2f: {  	[bflag:$0x0] =	sbarrier.arrive $0xFFFF  }
0x30: {  	p0 =	sne.s32 s0, $0x0;
	_ =	strace $0x90000047  }
0x31: {  	s0 =	sadd.s32 @!p0 $0x100000, s1;
	[bflag:$0x2] =	sbarrier.arrive $0xFFFF  }
0x32: {  	[sflag:s0] =	ssyncadd.tile.s32 @!p0 $0x1;
	_ =	shalt  }
.Lfunc_end2:
_tile_overlayer_lowered:
.L_overlay_start_2:
0x33: {  	(tag) =	ssettag $0x2  }
0x34: {  	s0 =	rddreg [dreg:$0x0];
	s2 =	stileid.u32  }
0x35: {  	s1 =	rddreg [dreg:$0x1];
	p0 =	sne.s32 s2, $0x0  }
0x36: {  	s3 =	rddreg [dreg:$0x2];
	[bflag:$0x3] =	sbarrier.arrive $0xFFFF;
	s2 =	simm.s32 @!p0 $0x1C03  }
0x37: {  	[timem:s3], [sflag:s2] =	dma.local @!p0 [hbm:s0], s1  }
0x38: {  	s0 =	simm.s32 @!p0 $0x3  }
0x39: {  	_ =	swait.ge @!p0 [sflag:s0], s1  }
0x3a: {  	s1 =	ssub.s32 @!p0 $0x0, s1;
	[sflag:s0] =	ssyncset.done @!p0 $0x0  }
0x3b: {  	[sflag:s0] =	ssyncadd.s32 @!p0 s1  }
0x3c: {  	[bflag:$0x3] =	sbarrier.arrive $0xFFFF  }
0x3d: {  	_ =	shalt  }

// kernel: kernel.9.cloned.1.call-start
scs
__scs_entry_jumppad:
0x0: {  	(pc) =	sbr.rel $0x88, $3  }
0x1: {  	(tag) =	ssettag $0x0;
	lr =	simm.s32 $0x1  }
0x2: {  	[smem:$0x3F99] =	sst lr;
	_ =	strace $0xD0000000  }
0x3: {  	_ = 	snop  }
0x4: {  	_ = 	snop  }
0x5: {  	_ = 	snop  }
0x6: {  	_ = 	snop  }
0x7: {  	_ = 	snop  }
__scs_overlays_trampoline_lowered:
0x8: {  	[smem:$0x3FA8] =	sst s0  }
0x9: {  	[smem:$0x3FA9] =	sst s1  }
0xa: {  	[smem:$0x3FAA] =	sst s2  }
0xb: {  	[smem:$0x3FAB] =	sst s3  }
0xc: {  	[smem:$0x3FAC] =	sst s4  }
0xd: {  	[smem:$0x3FAD] =	sst s5  }
0xe: {  	[smem:$0x3FAE] =	sst s6  }
0xf: {  	[smem:$0x3FAF] =	sst s7  }
0x10: {  	[smem:$0x3FB0] =	sst s8  }
0x11: {  	[smem:$0x3FB1] =	sst s9;
	s0 =	simm.s32 @!p0 $0x0  }
0x12: {  	s1 =	sld [smem:$0x3F97];
	s0 =	simm.s32 @p0 $0x1  }
0x13: {  	[smem:$0x3FB2] =	sst s0;
	s0 =	simm.s32 @!p1 $0x0  }
0x14: {  	s2 =	sld [smem:$0x3F96];
	s0 =	simm.s32 @p1 $0x1  }
0x15: {  	[smem:$0x3FB3] =	sst s0;
	s0 =	simm.s32 @!p2 $0x0  }
0x16: {  	s3 =	sld [smem:$0x3FDB];
	s0 =	simm.s32 @p2 $0x1  }
0x17: {  	s4 =	simm.s32 $0x1BF5;
	[smem:$0x3FB5] =	sst s0  }
0x18: {  	s0 =	sld [smem:$0x3F98];
	_ =	swait.ge [sflag:s4], $0x0  }
0x19: {  	s7 =	sld [smem:$0x3F99]  }
0x1a: {  	s8 =	sadd.s32 $0xFFFFE003, lr  }
0x1b: {  	s9 =	sadd.s32 $0xFFFFFEF7, lr;
	s5 =	simm.s32 $0xFFFFFFFF;
	p2 =	slt.u32 s8, $0xFFFFF086  }
0x1c: {  	p1 =	slt.u32 s9, $0xF7A;
	s5 =	simm.s32 @!p2 $0x0  }
0x1d: {  	s5 =	simm.s32 @p1 $0x1;
	p0 =	seq.s32 s7, s2  }
0x1e: {  	s7 =	smul.u32 @!p0 $0xF7A, s2;
	p2 =	seq.s32 @!p0 s5, $0x0  }
0x1f: {  	s9 =	smul.u32 $0xF7A, s1;
	s8 =	simm.s32 @!p0 $0x1BF5;
	p2 =	por !p2, p0  }
0x20: {  	[sflag:s8] =	ssyncset.s32 @!p0 $0xFFFFF086;
	s6 =	sadd.s32 @!p0 s3, s7;
	s7 =	simm.s32 @!p0 $0x108  }
0x21: {  	s3 =	sadd.s32 s3, s9;
	s6 =	sadd.s32 @!p0 $0x88, s6;
	s7 =	simm.s32 @p2 $0x1082  }
0x22: {  	[simem:s7], [sflag:s8] =	dma.local @!p0 [hbm:s6], $0xF7A  }
0x23: {  	s9 =	sor.u32 $0xD0000000, s2;
	s6 =	simm.s32 $0x108;
	_ =	swait.ge @!p0 [sflag:s8], $0x0  }
0x24: {  	s3 =	sadd.s32 $0x88, s3;
	s6 =	simm.s32 @!p1 $0x1082;
	[sflag:s4] =	ssyncset.s32 $0xFFFFF086  }
0x25: {  	[simem:s6], [sflag:s4] =	dma.local [hbm:s3], $0xF7A  }
0x26: {  	[smem:$0x3F99] =	sst s1;
	(tag) =	ssettag s2;
	_ =	strace s9  }
0x27: {  	s1 =	sld [smem:$0x3FA9]  }
0x28: {  	s2 =	sld [smem:$0x3FAA]  }
0x29: {  	s4 =	sld [smem:$0x3FAC]  }
0x2a: {  	p0 =	seq.s32 s5, $0x0;
	s5 =	sld [smem:$0x3FAD]  }
0x2b: {  	s6 =	sld [smem:$0x3FAE]  }
0x2c: {  	s7 =	sld [smem:$0x3FAF]  }
0x2d: {  	s3 =	simm.s32 $0x108;
	s8 =	sld [smem:$0x3FB0]  }
0x2e: {  	s3 =	simm.s32 @!p0 $0x1082;
	s9 =	sld [smem:$0x3FB1]  }
0x2f: {  	lr =	sadd.s32 s0, s3;
	s0 =	sld [smem:$0x3FA8]  }
0x30: {  	s3 =	sld [smem:$0x3FAB]  }
0x31: {  	[smem:$0x3FB4] =	sst s10  }
0x32: {  	s10 =	sld [smem:$0x3FB2];
	_ =	sdelay $0x3  }
0x33: {  	p0 =	seq.s32 s10, $0x1;
	s10 =	sld [smem:$0x3FB4];
	_ =	sdelay $0x3  }
0x34: {  	[smem:$0x3FB4] =	sst s10  }
0x35: {  	s10 =	sld [smem:$0x3FB3];
	_ =	sdelay $0x3  }
0x36: {  	p1 =	seq.s32 s10, $0x1;
	s10 =	sld [smem:$0x3FB4];
	_ =	sdelay $0x3  }
0x37: {  	[smem:$0x3FB4] =	sst s10  }
0x38: {  	s10 =	sld [smem:$0x3FB5]  }
0x39: {  	_ = 	snop;
	(pc) =	sbr.ind lr, $3  }
0x3a: {  	_ = 	snop  }
0x3b: {  	_ = 	snop  }
0x3c: {  	p2 =	seq.s32 s10, $0x1;
	s10 =	sld [smem:$0x3FB4]  }
0x3d: {  	_ =	shalt  }
0x3e: {  	_ =	shalt  }
0x3f: {  	_ =	shalt  }
0x40: {  	_ =	shalt  }
0x41: {  	_ =	shalt  }
0x42: {  	_ =	shalt  }
0x43: {  	_ =	shalt  }
0x44: {  	_ =	shalt  }
0x45: {  	_ =	shalt  }
0x46: {  	_ =	shalt  }
0x47: {  	_ =	shalt  }
0x48: {  	_ =	shalt  }
0x49: {  	_ =	shalt  }
0x4a: {  	_ =	shalt  }
0x4b: {  	_ =	shalt  }
0x4c: {  	_ =	shalt  }
0x4d: {  	_ =	shalt  }
0x4e: {  	_ =	shalt  }
0x4f: {  	_ =	shalt  }
0x50: {  	_ =	shalt  }
0x51: {  	_ =	shalt  }
0x52: {  	_ =	shalt  }
0x53: {  	_ =	shalt  }
0x54: {  	_ =	shalt  }
0x55: {  	_ =	shalt  }
0x56: {  	_ =	shalt  }
0x57: {  	_ =	shalt  }
0x58: {  	_ =	shalt  }
0x59: {  	_ =	shalt  }
0x5a: {  	_ =	shalt  }
0x5b: {  	_ =	shalt  }
0x5c: {  	_ =	shalt  }
0x5d: {  	_ =	shalt  }
0x5e: {  	_ =	shalt  }
0x5f: {  	_ =	shalt  }
0x60: {  	_ =	shalt  }
0x61: {  	_ =	shalt  }
0x62: {  	_ =	shalt  }
0x63: {  	_ =	shalt  }
0x64: {  	_ =	shalt  }
0x65: {  	_ =	shalt  }
0x66: {  	_ =	shalt  }
0x67: {  	_ =	shalt  }
0x68: {  	_ =	shalt  }
0x69: {  	_ =	shalt  }
0x6a: {  	_ =	shalt  }
0x6b: {  	_ =	shalt  }
0x6c: {  	_ =	shalt  }
0x6d: {  	_ =	shalt  }
0x6e: {  	_ =	shalt  }
0x6f: {  	_ =	shalt  }
0x70: {  	_ =	shalt  }
0x71: {  	_ =	shalt  }
0x72: {  	_ =	shalt  }
0x73: {  	_ =	shalt  }
0x74: {  	_ =	shalt  }
0x75: {  	_ =	shalt  }
0x76: {  	_ =	shalt  }
0x77: {  	_ =	shalt  }
0x78: {  	_ =	shalt  }
0x79: {  	_ =	shalt  }
0x7a: {  	_ =	shalt  }
0x7b: {  	_ =	shalt  }
0x7c: {  	_ =	shalt  }
0x7d: {  	_ =	shalt  }
0x7e: {  	_ =	shalt  }
0x7f: {  	_ =	shalt  }
0x80: {  	_ =	shalt  }
0x81: {  	_ =	shalt  }
0x82: {  	_ =	shalt  }
0x83: {  	_ =	shalt  }
0x84: {  	_ =	shalt  }
0x85: {  	_ =	shalt  }
0x86: {  	_ =	shalt  }
0x87: {  	_ =	shalt  }
.Lfunc_end0:
.L_simem_size_0:
called_computation.1_lowered:
.L_overlay_start_0:
0x88: {  	s2 =	sld [smem:$0x3FD9]  }
0x89: {  	s3 =	sld [smem:$0x3FFE];
	_ =	sdelay $0x1  }
0x8a: {  	s1 =	srdreg.scid  }
0x8b: {  	s0 =	sand.u32 $0x1, s1  }
0x8c: {  	s17 =	sshll.u32 s0, $0xA;
	s2 =	sadd.s32 s3, s2  }
0x8d: {  	s2 =	sadd.s32 s2, s17  }
0x8e: {  	[smem:$0x3FC0] =	sst s2  }
0x8f: {  	_ = 	snop  }
0x90: {  	s2 =	sld [smem:$0x3FD0];
	(tm) =	ssettm $0x1  }
0x91: {  	s18 =	sld [smem:$0x3FFB];
	_ =	sdelay $0x3  }
0x92: {  	_ =	strace s18  }
0x93: {  	s3 =	sld [smem:$0x3FFC];
	_ =	sdelay $0x3  }
0x94: {  	_ =	strace s3  }
0x95: {  	s3 =	sld [smem:$0x3FFD];
	_ =	sdelay $0x3  }
0x96: {  	_ =	strace s3  }
0x97: {  	_ =	strace $0x8FFFFFFF  }
0x98: {  	s19 =	sld [smem:$0x3FDB];
	_ =	sdelay $0x1  }
0x99: {  	s4 =	simm.s32 $_scs_section_size  }
0x9a: {  	s5 =	simm.s32 $_size__tile_overlayer_lowered;
	s6 =	simm.s32 $_tile_overlayer_lowered  }
0x9b: {  	s22 =	simm.s32 $0x1BFF;
	s21 =	sshll.u32 s6, $0x1;
	s3 =	sadd.s32 s4, s19  }
0x9c: {  	s7 =	simm.s32 $0x0;
	s20 =	sshll.u32 s5, $0x1;
	s5 =	sadd.s32 s21, s3  }
0x9d: {  	[timem:s7], [sflag:s22] =	dma.local [hbm:s5], s20  }
0x9e: {  	_ =	swait.ge [sflag:s22], s20  }
0x9f: {  	s4 =	ssub.s32 $0x0, s20;
	[sflag:s22] =	ssyncset.done $0x0  }
0xa0: {  	[sflag:s22] =	ssyncadd.s32 s4;
	_ =	sdelay $0x1  }
0xa1: {  	s23 =	simm.s32 $0x1B8B  }
0xa2: {  	_ =	swait.ge [sflag:s23], $0x1  }
0xa3: {  	[sflag:s23] =	ssyncset.done $0x0  }
0xa4: {  	s25 =	simm.s32 $0x1B8E;
	s24 =	sld [smem:$0x3FFE];
	[sflag:s23] =	ssyncadd.s32 $0xFFFFFFFF  }
0xa5: {  	s26 =	simm.s32 $execute0_lowered;
	[smem:$0x3FD2] =	sst s25  }
0xa6: {  	s5 =	sshll.u32 s26, $0x1;
	_ =	strace $0x80000049;
	[dreg:$0x1] =	wrdreg $0xFFFFFFFF  }
0xa7: {  	s28 =	simm.s32 $_size_execute0_lowered;
	s3 =	sadd.s32 s3, s5;
	[dreg:$0x0] =	wrdreg $0x0  }
0xa8: {  	s5 =	sshll.u32 s28, $0x1;
	[dreg:$0x2] =	wrdreg s3  }
0xa9: {  	[dreg:$0x3] =	wrdreg s5  }
0xaa: {  	[dreg:$0x4] =	wrdreg $0xC0  }
0xab: {  	_ =	task [dreg:s7], $0x5FFFF  }
0xac: {  	[dreg:$0x1] =	wrdreg $0xFFFFFFFF  }
0xad: {  	[dreg:$0x0] =	wrdreg $0x60  }
0xae: {  	[dreg:$0x2] =	wrdreg s2  }
0xaf: {  	[dreg:$0x3] =	wrdreg s24  }
0xb0: {  	[dreg:$0x4] =	wrdreg $0xC6200  }
0xb1: {  	[dreg:$0x5] =	wrdreg $0x9  }
0xb2: {  	_ =	task.clear_ibuf [dreg:s7], $0x6FFFF;
	_ =	strace $0x90000049  }
0xb3: {  	s29 =	simm.s32 $0x9;
	_ =	strace $0x8000004B  }
0xb4: {  	_ =	swait.ge [sflag:s29], $0x1  }
0xb5: {  	[sflag:s29] =	ssyncadd.s32 $0xFFFFFFFF  }
0xb6: {  	_ =	strace $0x9000004B  }
0xb7: {  	_ =	sfence  }
0xb8: {  	s30 =	sld [smem:$0x0];
	_ =	sdelay $0x2  }
0xb9: {  	s31 =	sshll.u32 s1, $0xD;
	s1 =	sshrl.u32 s1, $0x2  }
0xba: {  	s3 =	sand.u32 $0x4000, s31;
	s1 =	sadd.s32 s1, s30  }
0xbb: {  	s0 =	sor.u32 s3, s0;
	s1 =	sshll.u32 s1, $0x11  }
0xbc: {  	s0 =	sor.u32 s1, s0  }
0xbd: {  	s0 =	sadd.s32 $0x8F2B, s0  }
0xbe: {  	[sflag:s0] =	ssyncadd.remote.s32 $0x1  }
0xbf: {  	_ =	sfence.sel $0xFFFF  }
0xc0: {  	[dreg:$0x0] =	wrdreg $0xFFFFFFFF;
	(pc) =	sbr.abs _section_cstart, $3  }
0xc1: {  	[dreg:$0x1] =	wrdreg $0xFFFFFFFF  }
0xc2: {  	_ =	task.clear_ibuf [dreg:s7], $0x2FFFF;
	_ =	strace $0x9FFFFFFF  }
0xc3: {  	(tm) =	ssettm $0x7FFFFFFF  }
tec
execute0_lowered:
.L_overlay_start_1:
0x0: {  	(tag) =	ssettag $0x1  }
0x1: {  	s2 =	rddreg [dreg:$0x0]  }
0x2: {  	s1 =	srdreg.scid;
	s6 =	rddreg [dreg:$0x1]  }
0x3: {  	s0 =	stileid.u32;
	s3 =	rddreg [dreg:$0x2];
	s4 =	simm.s32 $0x0  }
0x4: {  	s17 =	simm.s32 $0x4E20;
	s18 =	simm.s32 $0x7;
	s19 =	simm.s32 $0x50  }
0x5: {  	s20 =	simm.s32 $0x7620;
	s21 =	simm.s32 $0x5;
	s8 =	smul.u32 $0x13880, s0  }
0x6: {  	s5 =	sand.u32 $0x1, s1;
	s28 =	sshll.u32 s0, $0x1;
	s10 =	smul.u32 $0x4E200, s0  }
0x7: {  	[smem:$0x7FF] =	sst s4;
	s1 =	sor.u32 s5, s28;
	s9 =	smul.u32 $0x138800, s5  }
0x8: {  	s5 =	ssub.s32 $0x2, s5;
	s7 =	smul.u32 $0x4E2, s1;
	s1 =	rddreg [dreg:$0x3]  }
0x9: {  	_ =	strace $0x8000004A;
	s30 =	sshrl.u32 s10, $0x2;
	s31 =	sshrl.u32 s5, $0x1  }
0xa: {  	s29 =	sadd.s32 s8, s9;
	s12 =	sadd.s32 s30, s3;
	s16 =	ssub.s32 s5, s31  }
0xb: {  	s5 =	sadd.s32 s8, s3;
	s14 =	sadd.s32 s7, s6;
	s7 =	sshrl.u32 s29, $0x3  }
0xc: {  	s8 =	sadd.s32 $0x7800, s12;
	s9 =	sadd.s32 $0xA000, s12;
	s10 =	sadd.s32 $0xC800, s12  }
0xd: {  	s11 =	sadd.s32 $0xF000, s12;
	s16 =	smax.u32 s16, $0x1;
	s15 =	sadd.s32 s7, s6  }
0xe: {  	s6 =	sadd.s32 $0x2800, s12;
	s7 =	sadd.s32 $0x5000, s12;
	s12 =	sadd.s32 $0x11800, s12  }
0xf: {  	v0 =	vimm.f32 $0.0e+00;
	s13 =	sadd.s32 $0xBA00, s14;
	s14 =	sadd.s32 $0x1C00, s14;
	s15 =	sadd.s32 $0x15800, s15  }
.LBB2_1:
0x10: {  	s22 =	simm.s32 $0x40;
	s23 =	simm.s32 $0x300  }
.LBB2_2:
0x11: {  	p0 =	sne.s32 s23, $0x9F00;
	[tilespmem:s22+$0x7650] =	vst v0  }
0x12: {  	[tilespmem:s22+$0x4DE0] =	vst v0  }
0x13: {  	[tilespmem:s22+$0x4DF0] =	vst v0  }
0x14: {  	[tilespmem:s22+$0x4E00] =	vst v0  }
0x15: {  	[tilespmem:s22+$0x4E10] =	vst v0  }
0x16: {  	[tilespmem:s22+$0x4E20] =	vst v0  }
0x17: {  	[tilespmem:s22+$0x4E30] =	vst v0  }
0x18: {  	[tilespmem:s22+$0x4E40] =	vst v0  }
0x19: {  	[tilespmem:s22+$0x4E50] =	vst v0  }
0x1a: {  	[tilespmem:s22+$0x75E0] =	vst v0  }
0x1b: {  	[tilespmem:s22+$0x75F0] =	vst v0  }
.Ltmp0:
0x1c: {  	[tilespmem:s22+$0x7600] =	vst v0;
	(pc) =	sbr.rel @p0 .LBB2_2-.Ltmp0, $4  }
0x1d: {  	[tilespmem:s22+$0x7610] =	vst v0  }
0x1e: {  	[tilespmem:s22+$0x7620] =	vst v0  }
0x1f: {  	[tilespmem:s22+$0x7630] =	vst v0  }
0x20: {  	[tilespmem:s22+$0x7640] =	vst v0;
	s22 =	sshra.s32 s23, $0x2;
	s23 =	sadd.s32 $0x200, s23  }
0x21: {  	[tilespmem:s22+$0x7650] =	vst v0  }
0x22: {  	[tilespmem:s22+$0x4DE0] =	vst v0  }
0x23: {  	[tilespmem:s22+$0x4DF0] =	vst v0  }
0x24: {  	[tilespmem:s22+$0x4E00] =	vst v0  }
0x25: {  	[tilespmem:s22+$0x4E10] =	vst v0  }
0x26: {  	[tilespmem:s22+$0x4E20] =	vst v0  }
0x27: {  	[tilespmem:s22+$0x4E30] =	vst v0  }
0x28: {  	[tilespmem:s22+$0x4E40] =	vst v0  }
0x29: {  	[tilespmem:s22+$0x4E50] =	vst v0  }
0x2a: {  	[tilespmem:s22+$0x75E0] =	vst v0  }
0x2b: {  	[tilespmem:s22+$0x75F0] =	vst v0  }
0x2c: {  	[tilespmem:s22+$0x7600] =	vst v0  }
0x2d: {  	[tilespmem:s22+$0x7610] =	vst v0  }
0x2e: {  	[tilespmem:s22+$0x7620] =	vst v0  }
0x2f: {  	[tilespmem:s22+$0x7630] =	vst v0  }
0x30: {  	[tilespmem:s22+$0x7640] =	vst v0  }
0x31: {  	[spmem:s5] =	stream.linear.scatter [tilespmem:s17], [sflag:$0x7], $0x2800, $0x38;
	[tilespmem:$0x1FEA0] =	vst v63  }
0x32: {  	_ =	swait.ge [sflag:s18], $0x2800  }
0x33: {  	[sflag:s18] =	ssyncset.done $0x0  }
0x34: {  	[sflag:s18] =	ssyncadd.s32 $0xFFFFD800  }
0x35: {  	[spmem:s6] =	stream.linear.scatter [tilespmem:s17], [sflag:$0x7], $0x2800, $0x38;
	[tilespmem:$0x1FEA0] =	vst v63  }
0x36: {  	_ =	swait.ge [sflag:s18], $0x2800  }
0x37: {  	[sflag:s18] =	ssyncset.done $0x0  }
0x38: {  	[sflag:s18] =	ssyncadd.s32 $0xFFFFD800  }
0x39: {  	[spmem:s7] =	stream.linear.scatter [tilespmem:s17], [sflag:$0x7], $0x2800, $0x38;
	[tilespmem:$0x1FEA0] =	vst v63  }
0x3a: {  	_ =	swait.ge [sflag:s18], $0x2800  }
0x3b: {  	[sflag:s18] =	ssyncset.done $0x0  }
0x3c: {  	[sflag:s18] =	ssyncadd.s32 $0xFFFFD800  }
0x3d: {  	[spmem:s8] =	stream.linear.scatter [tilespmem:s17], [sflag:$0x7], $0x2800, $0x38;
	[tilespmem:$0x1FEA0] =	vst v63  }
0x3e: {  	_ =	swait.ge [sflag:s18], $0x2800  }
0x3f: {  	[sflag:s18] =	ssyncset.done $0x0  }
0x40: {  	[sflag:s18] =	ssyncadd.s32 $0xFFFFD800  }
0x41: {  	[spmem:s9] =	stream.linear.scatter [tilespmem:s17], [sflag:$0x7], $0x2800, $0x38;
	[tilespmem:$0x1FEA0] =	vst v63  }
0x42: {  	_ =	swait.ge [sflag:s18], $0x2800  }
0x43: {  	[sflag:s18] =	ssyncset.done $0x0  }
0x44: {  	[sflag:s18] =	ssyncadd.s32 $0xFFFFD800  }
0x45: {  	[spmem:s10] =	stream.linear.scatter [tilespmem:s17], [sflag:$0x7], $0x2800, $0x38;
	[tilespmem:$0x1FEA0] =	vst v63  }
0x46: {  	_ =	swait.ge [sflag:s18], $0x2800  }
0x47: {  	[sflag:s18] =	ssyncset.done $0x0  }
0x48: {  	[sflag:s18] =	ssyncadd.s32 $0xFFFFD800  }
0x49: {  	[spmem:s11] =	stream.linear.scatter [tilespmem:s17], [sflag:$0x7], $0x2800, $0x38;
	[tilespmem:$0x1FEA0] =	vst v63  }
0x4a: {  	_ =	swait.ge [sflag:s18], $0x2800  }
0x4b: {  	[sflag:s18] =	ssyncset.done $0x0  }
0x4c: {  	[sflag:s18] =	ssyncadd.s32 $0xFFFFD800  }
0x4d: {  	[spmem:s12] =	stream.linear.scatter [tilespmem:s17], [sflag:$0x7], $0x2080, $0x38;
	[tilespmem:$0x1FEA0] =	vst v63  }
0x4e: {  	_ =	swait.ge [sflag:s18], $0x2080  }
0x4f: {  	[sflag:s18] =	ssyncset.done $0x0  }
0x50: {  	[sflag:s18] =	ssyncadd.s32 $0xFFFFDF80  }
0x51: {  	s22 =	simm.s32 $0x0;
	[bflag:$0x0] =	sbarrier.arrive $0xFFFF  }
0x52: {  	[tilespmem:s22], [sflag:$0x7] =	stream.linear.gather [hbm4b:s13+s22], $0x2710, $0x38;
	[tilespmem:$0x1FEA0] =	vst v63  }
0x53: {  	_ =	swait.ge [sflag:s18], $0x2710  }
0x54: {  	[sflag:s18] =	ssyncset.done $0x0  }
0x55: {  	s23 =	simm.s32 $0x2710;
	[sflag:s18] =	ssyncadd.s32 $0xFFFFD8F0  }
0x56: {  	[tilespmem:s23], [sflag:$0x7] =	stream.linear.gather [hbm4b:s14+s22], $0x2710, $0x38;
	[tilespmem:$0x1FEA0] =	vst v63  }
0x57: {  	_ =	swait.ge [sflag:s18], $0x2710  }
0x58: {  	[sflag:s18] =	ssyncset.done $0x0  }
0x59: {  	[sflag:s18] =	ssyncadd.s32 $0xFFFFD8F0  }
0x5a: {  	[tilespmem:s17], [sflag:$0x1] =	stream.indirect.gather [hbm4b:s2+s19], $0x80, s22, s19, $0xb8;
	[tilespmem:$0x1FEA0] =	vst v63  }
0x5b: {  	s24 =	simm.s32 $0xA0  }
0x5c: {  	[tilespmem:s20], [sflag:$0x2] =	stream.indirect.gather [hbm4b:s2+s19], $0x80, s19, s19, $0xb8;
	[tilespmem:$0x1FEA0] =	vst v63  }
.LBB2_4:
0x5d: {  	s25 =	smul.u32 $0xAB, s22;
	_ =	sdelay $0x1  }
0x5e: {  	s26 =	sadd.s32 $0x156, s25  }
0x5f: {  	s26 =	sshrl.u32 s26, $0x9  }
0x60: {  	s26 =	sand.u32 $0x7F, s26  }
0x61: {  	s26 =	smul.u32 $0x3, s26;
	_ =	sdelay $0x1  }
0x62: {  	s26 =	ssub.s32 s22, s26  }
0x63: {  	s26 =	sadd.s32 $0x2, s26  }
0x64: {  	p0 =	seq.s32 s22, $0x0;
	s25 =	sshrl.u32 s25, $0x9;
	s26 =	sand.u32 $0xFF, s26  }
0x65: {  	s25 =	sand.u32 $0x7F, s25;
	s28 =	sadd.s32 @!p0 $0x4, s26  }
0x66: {  	p1 =	sgt.u32 @!p0 s22, $0x7A;
	s25 =	smul.u32 $0x3, s25;
	_ =	swait.ge @!p0 [sflag:s28], $0x2800  }
0x67: {  	p1 =	por p0, !p1;
	[sflag:s28] =	ssyncset.done @!p0 $0x0  }
0x68: {  	s25 =	ssub.s32 s22, s25;
	[sflag:s28] =	ssyncadd.s32 @!p0 $0xFFFFD800;
	s28 =	smul.u32 @p1 $0xA000, s26  }
0x69: {  	s25 =	sand.u32 $0xFF, s25;
	s22 =	sadd.s32 $0x1, s22  }
0x6a: {  	s29 =	sadd.s32 $0x1, s25;
	s30 =	smul.u32 $0xA000, s25;
	s28 =	sshrl.u32 @p1 s28, $0x2  }
0x6b: {  	s26 =	sadd.s32 @p1 $0x1, s26;
	p0 =	sne.s32 s22, $0x7D;
	s28 =	sadd.s32 @p1 $0x4E20, s28  }
0x6c: {  	[tilespmem:s28], [sflag:s26] =	stream.indirect.gather @p1 [hbm4b:s2+s19], $0x80, s24, s19, $0xb8;
	[tilespmem:$0x1FEA0] =	vst v63  }
.Ltmp1:
0x6d: {  	_ =	swait.ge [sflag:s29], $0x2800;
	(pc) =	sbr.rel @p0 .LBB2_4-.Ltmp1, $4  }
0x6e: {  	s28 =	sshrl.u32 s30, $0x2;
	[sflag:s29] =	ssyncset.done $0x0  }
0x6f: {  	s25 =	sadd.s32 $0x4, s25;
	s31 =	sadd.s32 $0x4E20, s28;
	[sflag:s29] =	ssyncadd.s32 $0xFFFFD800  }
0x70: {  	[spmem:s3] =	stream.indirect.scatter.add.f32 [tilespmem:s31], [sflag:s25], $0x80, s23, s19, $0xb8;
	[tilespmem:$0x1FEA0] =	vst v63  }
0x71: {  	s24 =	sadd.s32 $0x50, s24;
	s23 =	sadd.s32 $0x50, s23  }
0x72: {  	_ =	swait.ge [sflag:s21], $0x2800  }
0x73: {  	s22 =	sshll.u32 s0, $0x6;
	s4 =	sadd.s32 $0x1, s4;
	[sflag:s21] =	ssyncset.done $0x0  }
0x74: {  	s23 =	sshrl.u32 s5, $0x3;
	p0 =	sne.s32 s4, s16;
	[sflag:s21] =	ssyncadd.s32 $0xFFFFD800  }
.Ltmp2:
0x75: {  	s22 =	sor.u32 $0x1C07, s22;
	[bflag:$0x0] =	sbarrier.arrive $0xFFFF;
	(pc) =	sbr.rel @p0 .LBB2_1-.Ltmp2, $4  }
0x76: {  	[hbm:s15], [sflag:s22] =	dma.local [spmem:s23], $0x2710  }
0x77: {  	_ =	swait.ge [sflag:s18], $0x2710  }
0x78: {  	[sflag:s18] =	ssyncset.done $0x0  }
0x79: {  	[sflag:s18] =	ssyncadd.s32 $0xFFFFD8F0  }
0x7a: {  	_ =	sfence.sel $0x180000  }
0x7b: {  	[bflag:$0x0] =	sbarrier.arrive $0xFFFF  }
0x7c: {  	p0 =	sne.s32 s0, $0x0;
	_ =	strace $0x9000004A  }
0x7d: {  	s0 =	sadd.s32 @!p0 $0x100000, s1;
	[bflag:$0x2] =	sbarrier.arrive $0xFFFF  }
0x7e: {  	[sflag:s0] =	ssyncadd.tile.s32 @!p0 $0x1;
	_ =	shalt  }
.Lfunc_end2:
_tile_overlayer_lowered:
.L_overlay_start_2:
0x7f: {  	(tag) =	ssettag $0x2  }
0x80: {  	s0 =	rddreg [dreg:$0x0];
	s2 =	stileid.u32  }
0x81: {  	s1 =	rddreg [dreg:$0x1];
	p0 =	sne.s32 s2, $0x0  }
0x82: {  	s3 =	rddreg [dreg:$0x2];
	[bflag:$0x3] =	sbarrier.arrive $0xFFFF;
	s2 =	simm.s32 @!p0 $0x1C07  }
0x83: {  	[timem:s3], [sflag:s2] =	dma.local @!p0 [hbm:s0], s1  }
0x84: {  	s0 =	simm.s32 @!p0 $0x7  }
0x85: {  	_ =	swait.ge @!p0 [sflag:s0], s1  }
0x86: {  	s1 =	ssub.s32 @!p0 $0x0, s1;
	[sflag:s0] =	ssyncset.done @!p0 $0x0  }
0x87: {  	[sflag:s0] =	ssyncadd.s32 @!p0 s1  }
0x88: {  	[bflag:$0x3] =	sbarrier.arrive $0xFFFF  }
0x89: {  	_ =	shalt  }

</sc_bundles>
